<compile_context>
chip_gen: v7x
topology: tpu7x:2x2x1
jax: 0.10.2.dev20260603
libtpu: 0.0.44.dev20260713+nightly
codegen_flags: <defaults>
</compile_context>

<pallas_src>
import functools

import jax
import jax.numpy as jnp
from jax import lax
from jax.experimental import pallas as pl
from jax.experimental.pallas import tpu as pltpu
from jax.experimental.pallas import tpu_sc as plsc

B = 16
L = 4096
NC = 32768
A = 64
C = 2048

NUM_CORES = 2
NUM_SUBCORES = 16
NW = NUM_CORES * NUM_SUBCORES
ROWS_PER_TILE = NC // NW
CHUNK_ROWS = 128
NUM_CHUNKS = ROWS_PER_TILE // CHUNK_ROWS
TABLE = B * L

_mesh = plsc.VectorSubcoreMesh(
    core_axis_name="c", subcore_axis_name="s",
    num_cores=NUM_CORES, num_subcores=NUM_SUBCORES)
_params = pltpu.CompilerParams(needs_layout_passes=False)
_params_tiled = pltpu.CompilerParams(needs_layout_passes=False,
                                     use_tc_tiling_on_sc=True)


def _wid():
    return lax.axis_index("s") * NUM_CORES + lax.axis_index("c")


@functools.partial(
    pl.kernel,
    out_type=jax.ShapeDtypeStruct((NC,), jnp.float32),
    mesh=_mesh,
    scratch_types=[
        pltpu.VMEM((TABLE,), jnp.float32),
        pltpu.VMEM_SHARED((TABLE,), jnp.float32),
        pltpu.VMEM((A, CHUNK_ROWS), jnp.int32),
        pltpu.VMEM((A, CHUNK_ROWS), jnp.int32),
        pltpu.VMEM((A, CHUNK_ROWS), jnp.float32),
        pltpu.VMEM((A, CHUNK_ROWS), jnp.float32),
        pltpu.VMEM((ROWS_PER_TILE,), jnp.float32),
        pltpu.SemaphoreType.DMA,
        pltpu.SemaphoreType.DMA,
        pltpu.SemaphoreType.DMA,
    ],
    compiler_params=_params_tiled,
)
def _score_rows(tbl_hbm, aliT_hbm, wT_hbm, out_hbm,
                table_v, table_sh, ib0, ib1, wb0, wb1, out_v,
                sem0, sem1, sem_t):
    wid = _wid()
    sid = lax.axis_index("s")
    row0 = wid * ROWS_PER_TILE

    ibufs = (ib0, ib1)
    wbufs = (wb0, wb1)
    sems = (sem0, sem1)

    def chunk_copies(ch, b):
        src = pl.ds(row0 + ch * CHUNK_ROWS, CHUNK_ROWS)
        return (pltpu.make_async_copy(aliT_hbm.at[:, src], ibufs[b], sems[b]),
                pltpu.make_async_copy(wT_hbm.at[:, src], wbufs[b], sems[b]))

    for cp in chunk_copies(0, 0):
        cp.start()
    for cp in chunk_copies(1, 1):
        cp.start()

    @pl.when(sid == 0)
    def _():
        tcps = [
            pltpu.make_async_copy(tbl_hbm.at[r, :],
                                  table_sh.at[pl.ds(r * L, L)], sem_t)
            for r in range(B)
        ]
        for cp in tcps:
            cp.start()
        for cp in tcps:
            cp.wait()
    plsc.subcore_barrier()
    pltpu.sync_copy(table_sh, table_v)

    def pair(p, _):
        for par in range(2):
            ch = p * 2 + par
            for cp in chunk_copies(ch, par):
                cp.wait()
            ib = ibufs[par]
            wb = wbufs[par]

            def group(g, _, ib=ib, wb=wb, ch=ch):
                s = pl.ds(g * 16, 16)

                def step(a, acc):
                    iv = ib[a, s]
                    wv = wb[a, s]
                    tv = plsc.load_gather(table_v, [iv])
                    return acc + tv * wv

                acc = lax.fori_loop(0, A, step,
                                    jnp.zeros((16,), jnp.float32), unroll=8)
                out_v[pl.ds(ch * CHUNK_ROWS + g * 16, 16)] = acc
                return 0

            lax.fori_loop(0, CHUNK_ROWS // 16, group, 0)

            @pl.when(ch + 2 < NUM_CHUNKS)
            def _(ch=ch, par=par):
                for cp in chunk_copies(ch + 2, par):
                    cp.start()
        return 0

    lax.fori_loop(0, NUM_CHUNKS // 2, pair, 0)

    pltpu.sync_copy(out_v, out_hbm.at[pl.ds(row0, ROWS_PER_TILE)])


OUT_PER_TILE = NC // NW
GATHER_SEG = 128


@functools.partial(
    pl.kernel,
    out_type=jax.ShapeDtypeStruct((B, C), jnp.float32),
    mesh=_mesh,
    scratch_types=[
        pltpu.VMEM((OUT_PER_TILE,), jnp.int32),
        pltpu.VMEM((OUT_PER_TILE,), jnp.float32),
        pltpu.VMEM((OUT_PER_TILE,), jnp.float32),
        pltpu.VMEM((OUT_PER_TILE,), jnp.float32),
        pltpu.SemaphoreType.DMA,
    ],
    compiler_params=_params_tiled,
)
def _unflatten(scores_hbm, u_hbm, m_hbm, out_hbm,
               idx_v, g_v, m_v, o_v, sem):
    wid = _wid()
    b = wid // 2
    coff = (wid % 2) * OUT_PER_TILE
    cs = pl.ds(coff, OUT_PER_TILE)
    pltpu.sync_copy(u_hbm.at[b, cs], idx_v)
    pltpu.sync_copy(m_hbm.at[b, cs], m_v)

    nseg = OUT_PER_TILE // GATHER_SEG
    copies = [
        pltpu.make_async_copy(
            scores_hbm.at[idx_v.at[pl.ds(j * GATHER_SEG, GATHER_SEG)]],
            g_v.at[pl.ds(j * GATHER_SEG, GATHER_SEG)],
            sem)
        for j in range(nseg)
    ]
    for cp in copies:
        cp.start()
    for cp in copies:
        cp.wait()

    def step(k, _):
        s = pl.ds(k * 16, 16)
        o_v[s] = g_v[s] * m_v[s]
        return 0

    lax.fori_loop(0, OUT_PER_TILE // 16, step, 0)
    pltpu.sync_copy(o_v, out_hbm.at[b, cs])


def kernel(input_scores, alignments, alignment_weights, unflatten,
           unflatten_mask):
    scores_flat = _score_rows(input_scores, alignments.astype(jnp.int32).T,
                              alignment_weights.T)
    return _unflatten(scores_flat, unflatten.astype(jnp.int32),
                      unflatten_mask)

# --- scband reference (transcript-rebuilt; emitter-appended) ---
"""Pipeline reference for scband-soft-copy-scorer-82892868813041 (READ-ONLY COPY).

The authoritative reference and input builder live on the scoring server;
editing this copy changes nothing except your own understanding.
"""

import jax, jax.numpy as jnp
import numpy as np

B = 16
L = 4096
NC = 32768  # total flat candidates (B * 2048 candidates per example)
A = 64      # max alignments per candidate
C = 2048    # max candidates per example


def setup_inputs(seed: int = 0) -> dict:
    key = jax.random.key(seed)
    k1, k2, k3, k4 = jax.random.split(key, 4)
    input_scores = jax.random.normal(k1, (B, L), dtype=jnp.float32)
    alignments = jax.random.randint(k2, (NC, A), 0, B * L, dtype=jnp.int64)
    alignment_weights = jax.random.uniform(k3, (NC, A), dtype=jnp.float32)
    unflatten = jax.random.randint(k4, (B, C), 0, NC, dtype=jnp.int64)
    unflatten_mask = jnp.ones((B, C), dtype=jnp.float32)
    return {
        "input_scores": input_scores,
        "alignments": alignments,
        "alignment_weights": alignment_weights,
        "unflatten": unflatten,
        "unflatten_mask": unflatten_mask,
    }


def reference(input_scores, alignments, alignment_weights, unflatten, unflatten_mask):
    # Flatten input scores: (B*L,)
    input_scores_flat = jnp.reshape(input_scores, (-1,))
    # embed(alignments_flat, input_scores_flat): gather aligned attention weights
    aligned_attention_weights = jnp.take(input_scores_flat, alignments, axis=0)  # (NC, A)
    # weighted_sum with pad value 0 on weights: padded alignment weights are 0
    scores_flat = jnp.sum(aligned_attention_weights * alignment_weights, axis=1)  # (NC,)
    # embed(unflatten, scores_flat).with_pad_value(0): gather then mask padded candidates
    scores = jnp.take(scores_flat, unflatten, axis=0) * unflatten_mask  # (B, C)
    return scores

if __name__ == "__main__":
    import jax
    _d = setup_inputs()
    print(jax.jit(kernel)(*tuple(_d.values())))

</pallas_src>

<mosaic_0001>
#map = affine_map<(d0, d1) -> (0, 0)>
#map1 = affine_map<(d0, d1) -> (0)>
module attributes {stable_mosaic.version = 14 : i64} {
  func.func @_score_rows(%arg0: i32, %arg1: i32, %arg2: memref<16x4096xf32, #tpu.memory_space<hbm>>, %arg3: memref<64x32768xi32, #tpu.memory_space<hbm>>, %arg4: memref<64x32768xf32, #tpu.memory_space<hbm>>, %arg5: memref<32768xf32, #tpu.memory_space<hbm>>, %arg6: memref<65536xf32, #tpu.memory_space<vmem>>, %arg7: memref<65536xf32, #tpu.memory_space<vmem_shared>>, %arg8: memref<64x128xi32, #tpu.memory_space<vmem>>, %arg9: memref<64x128xi32, #tpu.memory_space<vmem>>, %arg10: memref<64x128xf32, #tpu.memory_space<vmem>>, %arg11: memref<64x128xf32, #tpu.memory_space<vmem>>, %arg12: memref<1024xf32, #tpu.memory_space<vmem>>, %arg13: memref<!tpu.dma_semaphore, #tpu.memory_space<semaphore_mem>>, %arg14: memref<!tpu.dma_semaphore, #tpu.memory_space<semaphore_mem>>, %arg15: memref<!tpu.dma_semaphore, #tpu.memory_space<semaphore_mem>>) attributes {dimension_semantics = [#tpu.dimension_semantics<core_parallel>, #tpu.dimension_semantics<subcore_parallel>], iteration_bounds = array<i64: 2, 16>, scalar_prefetch = 0 : i64, scratch_operands = 10 : i64, tpu.core_type = #tpu.core_type<sc_vector_subcore>, window_params = [{transform_indices = #map}, {transform_indices = #map}, {transform_indices = #map}, {transform_indices = #map1}]} {
    %mul3A = arith.constant 2 : i32
    %mul3A_0 = arith.muli %arg1, %mul3A : i32
    %add3A = arith.addi %mul3A_0, %arg0 : i32
    %mul3A_1 = arith.constant 1024 : i32
    %mul3A_2 = arith.muli %add3A, %mul3A_1 : i32
    %add3A_3 = arith.constant 0 : i32
    %add3A_4 = arith.addi %mul3A_2, %add3A_3 : i32
    %dma_start3A = arith.constant 0 : i32
    %dma_start3A_5 = tpu.memref_slice %arg3[%dma_start3A, %add3A_4] : memref<64x32768xi32, #tpu.memory_space<hbm>> -> memref<64x128xi32, #tpu.memory_space<hbm>>
    %dma_start3A_6 = arith.constant 0 : i32
    %dma_start3A_7 = tpu.memref_slice %arg3[%dma_start3A_6, %add3A_4] : memref<64x32768xi32, #tpu.memory_space<hbm>> -> memref<64x128xi32, #tpu.memory_space<hbm>>
    tpu.enqueue_dma source(%dma_start3A_7 : memref<64x128xi32, #tpu.memory_space<hbm>>) target(%arg8 : memref<64x128xi32, #tpu.memory_space<vmem>>) target_semaphore(%arg13 : memref<!tpu.dma_semaphore, #tpu.memory_space<semaphore_mem>>)
    %dma_start3A_8 = arith.constant 0 : i32
    %dma_start3A_9 = tpu.memref_slice %arg4[%dma_start3A_8, %add3A_4] : memref<64x32768xf32, #tpu.memory_space<hbm>> -> memref<64x128xf32, #tpu.memory_space<hbm>>
    %dma_start3A_10 = arith.constant 0 : i32
    %dma_start3A_11 = tpu.memref_slice %arg4[%dma_start3A_10, %add3A_4] : memref<64x32768xf32, #tpu.memory_space<hbm>> -> memref<64x128xf32, #tpu.memory_space<hbm>>
    tpu.enqueue_dma source(%dma_start3A_11 : memref<64x128xf32, #tpu.memory_space<hbm>>) target(%arg10 : memref<64x128xf32, #tpu.memory_space<vmem>>) target_semaphore(%arg13 : memref<!tpu.dma_semaphore, #tpu.memory_space<semaphore_mem>>)
    %add3A_12 = arith.constant 128 : i32
    %add3A_13 = arith.addi %mul3A_2, %add3A_12 : i32
    %dma_start3A_14 = arith.constant 0 : i32
    %dma_start3A_15 = tpu.memref_slice %arg3[%dma_start3A_14, %add3A_13] : memref<64x32768xi32, #tpu.memory_space<hbm>> -> memref<64x128xi32, #tpu.memory_space<hbm>>
    %dma_start3A_16 = arith.constant 0 : i32
    %dma_start3A_17 = tpu.memref_slice %arg3[%dma_start3A_16, %add3A_13] : memref<64x32768xi32, #tpu.memory_space<hbm>> -> memref<64x128xi32, #tpu.memory_space<hbm>>
    tpu.enqueue_dma source(%dma_start3A_17 : memref<64x128xi32, #tpu.memory_space<hbm>>) target(%arg9 : memref<64x128xi32, #tpu.memory_space<vmem>>) target_semaphore(%arg14 : memref<!tpu.dma_semaphore, #tpu.memory_space<semaphore_mem>>)
    %dma_start3A_18 = arith.constant 0 : i32
    %dma_start3A_19 = tpu.memref_slice %arg4[%dma_start3A_18, %add3A_13] : memref<64x32768xf32, #tpu.memory_space<hbm>> -> memref<64x128xf32, #tpu.memory_space<hbm>>
    %dma_start3A_20 = arith.constant 0 : i32
    %dma_start3A_21 = tpu.memref_slice %arg4[%dma_start3A_20, %add3A_13] : memref<64x32768xf32, #tpu.memory_space<hbm>> -> memref<64x128xf32, #tpu.memory_space<hbm>>
    tpu.enqueue_dma source(%dma_start3A_21 : memref<64x128xf32, #tpu.memory_space<hbm>>) target(%arg11 : memref<64x128xf32, #tpu.memory_space<vmem>>) target_semaphore(%arg14 : memref<!tpu.dma_semaphore, #tpu.memory_space<semaphore_mem>>)
    %eq3A = arith.constant 0 : i32
    %eq3A_22 = arith.cmpi eq, %arg1, %eq3A : i32
    %convert_element_type3A = arith.extui %eq3A_22 : i1 to i32
    %cond3A = arith.constant 0 : i32
    %cond3A_23 = arith.cmpi ne, %convert_element_type3A, %cond3A : i32
    scf.if %cond3A_23 {
      %dma_start3A_30 = arith.constant 0 : i32
      %dma_start3A_31 = arith.constant 0 : i32
      %dma_start3A_32 = tpu.memref_slice %arg7[%dma_start3A_31] : memref<65536xf32, #tpu.memory_space<vmem_shared>> -> memref<4096xf32, #tpu.memory_space<vmem_shared>>
      %dma_start3A_33 = arith.constant 0 : i32
      %dma_start3A_34 = tpu.memref_slice %arg2[%dma_start3A_30, %dma_start3A_33] : memref<16x4096xf32, #tpu.memory_space<hbm>> -> memref<1x4096xf32, #tpu.memory_space<hbm>>
      %dma_start3A_35 = tpu.memref_squeeze %dma_start3A_34 : memref<1x4096xf32, #tpu.memory_space<hbm>> -> memref<4096xf32, #tpu.memory_space<hbm>>
      tpu.enqueue_dma source(%dma_start3A_35 : memref<4096xf32, #tpu.memory_space<hbm>>) target(%dma_start3A_32 : memref<4096xf32, #tpu.memory_space<vmem_shared>>) target_semaphore(%arg15 : memref<!tpu.dma_semaphore, #tpu.memory_space<semaphore_mem>>)
      %dma_start3A_36 = arith.constant 1 : i32
      %dma_start3A_37 = arith.constant 4096 : i32
      %dma_start3A_38 = tpu.memref_slice %arg7[%dma_start3A_37] : memref<65536xf32, #tpu.memory_space<vmem_shared>> -> memref<4096xf32, #tpu.memory_space<vmem_shared>>
      %dma_start3A_39 = arith.constant 0 : i32
      %dma_start3A_40 = tpu.memref_slice %arg2[%dma_start3A_36, %dma_start3A_39] : memref<16x4096xf32, #tpu.memory_space<hbm>> -> memref<1x4096xf32, #tpu.memory_space<hbm>>
      %dma_start3A_41 = tpu.memref_squeeze %dma_start3A_40 : memref<1x4096xf32, #tpu.memory_space<hbm>> -> memref<4096xf32, #tpu.memory_space<hbm>>
      tpu.enqueue_dma source(%dma_start3A_41 : memref<4096xf32, #tpu.memory_space<hbm>>) target(%dma_start3A_38 : memref<4096xf32, #tpu.memory_space<vmem_shared>>) target_semaphore(%arg15 : memref<!tpu.dma_semaphore, #tpu.memory_space<semaphore_mem>>)
      %dma_start3A_42 = arith.constant 2 : i32
      %dma_start3A_43 = arith.constant 8192 : i32
      %dma_start3A_44 = tpu.memref_slice %arg7[%dma_start3A_43] : memref<65536xf32, #tpu.memory_space<vmem_shared>> -> memref<4096xf32, #tpu.memory_space<vmem_shared>>
      %dma_start3A_45 = arith.constant 0 : i32
      %dma_start3A_46 = tpu.memref_slice %arg2[%dma_start3A_42, %dma_start3A_45] : memref<16x4096xf32, #tpu.memory_space<hbm>> -> memref<1x4096xf32, #tpu.memory_space<hbm>>
      %dma_start3A_47 = tpu.memref_squeeze %dma_start3A_46 : memref<1x4096xf32, #tpu.memory_space<hbm>> -> memref<4096xf32, #tpu.memory_space<hbm>>
      tpu.enqueue_dma source(%dma_start3A_47 : memref<4096xf32, #tpu.memory_space<hbm>>) target(%dma_start3A_44 : memref<4096xf32, #tpu.memory_space<vmem_shared>>) target_semaphore(%arg15 : memref<!tpu.dma_semaphore, #tpu.memory_space<semaphore_mem>>)
      %dma_start3A_48 = arith.constant 3 : i32
      %dma_start3A_49 = arith.constant 12288 : i32
      %dma_start3A_50 = tpu.memref_slice %arg7[%dma_start3A_49] : memref<65536xf32, #tpu.memory_space<vmem_shared>> -> memref<4096xf32, #tpu.memory_space<vmem_shared>>
      %dma_start3A_51 = arith.constant 0 : i32
      %dma_start3A_52 = tpu.memref_slice %arg2[%dma_start3A_48, %dma_start3A_51] : memref<16x4096xf32, #tpu.memory_space<hbm>> -> memref<1x4096xf32, #tpu.memory_space<hbm>>
      %dma_start3A_53 = tpu.memref_squeeze %dma_start3A_52 : memref<1x4096xf32, #tpu.memory_space<hbm>> -> memref<4096xf32, #tpu.memory_space<hbm>>
      tpu.enqueue_dma source(%dma_start3A_53 : memref<4096xf32, #tpu.memory_space<hbm>>) target(%dma_start3A_50 : memref<4096xf32, #tpu.memory_space<vmem_shared>>) target_semaphore(%arg15 : memref<!tpu.dma_semaphore, #tpu.memory_space<semaphore_mem>>)
      %dma_start3A_54 = arith.constant 4 : i32
      %dma_start3A_55 = arith.constant 16384 : i32
      %dma_start3A_56 = tpu.memref_slice %arg7[%dma_start3A_55] : memref<65536xf32, #tpu.memory_space<vmem_shared>> -> memref<4096xf32, #tpu.memory_space<vmem_shared>>
      %dma_start3A_57 = arith.constant 0 : i32
      %dma_start3A_58 = tpu.memref_slice %arg2[%dma_start3A_54, %dma_start3A_57] : memref<16x4096xf32, #tpu.memory_space<hbm>> -> memref<1x4096xf32, #tpu.memory_space<hbm>>
      %dma_start3A_59 = tpu.memref_squeeze %dma_start3A_58 : memref<1x4096xf32, #tpu.memory_space<hbm>> -> memref<4096xf32, #tpu.memory_space<hbm>>
      tpu.enqueue_dma source(%dma_start3A_59 : memref<4096xf32, #tpu.memory_space<hbm>>) target(%dma_start3A_56 : memref<4096xf32, #tpu.memory_space<vmem_shared>>) target_semaphore(%arg15 : memref<!tpu.dma_semaphore, #tpu.memory_space<semaphore_mem>>)
      %dma_start3A_60 = arith.constant 5 : i32
      %dma_start3A_61 = arith.constant 20480 : i32
      %dma_start3A_62 = tpu.memref_slice %arg7[%dma_start3A_61] : memref<65536xf32, #tpu.memory_space<vmem_shared>> -> memref<4096xf32, #tpu.memory_space<vmem_shared>>
      %dma_start3A_63 = arith.constant 0 : i32
      %dma_start3A_64 = tpu.memref_slice %arg2[%dma_start3A_60, %dma_start3A_63] : memref<16x4096xf32, #tpu.memory_space<hbm>> -> memref<1x4096xf32, #tpu.memory_space<hbm>>
      %dma_start3A_65 = tpu.memref_squeeze %dma_start3A_64 : memref<1x4096xf32, #tpu.memory_space<hbm>> -> memref<4096xf32, #tpu.memory_space<hbm>>
      tpu.enqueue_dma source(%dma_start3A_65 : memref<4096xf32, #tpu.memory_space<hbm>>) target(%dma_start3A_62 : memref<4096xf32, #tpu.memory_space<vmem_shared>>) target_semaphore(%arg15 : memref<!tpu.dma_semaphore, #tpu.memory_space<semaphore_mem>>)
      %dma_start3A_66 = arith.constant 6 : i32
      %dma_start3A_67 = arith.constant 24576 : i32
      %dma_start3A_68 = tpu.memref_slice %arg7[%dma_start3A_67] : memref<65536xf32, #tpu.memory_space<vmem_shared>> -> memref<4096xf32, #tpu.memory_space<vmem_shared>>
      %dma_start3A_69 = arith.constant 0 : i32
      %dma_start3A_70 = tpu.memref_slice %arg2[%dma_start3A_66, %dma_start3A_69] : memref<16x4096xf32, #tpu.memory_space<hbm>> -> memref<1x4096xf32, #tpu.memory_space<hbm>>
      %dma_start3A_71 = tpu.memref_squeeze %dma_start3A_70 : memref<1x4096xf32, #tpu.memory_space<hbm>> -> memref<4096xf32, #tpu.memory_space<hbm>>
      tpu.enqueue_dma source(%dma_start3A_71 : memref<4096xf32, #tpu.memory_space<hbm>>) target(%dma_start3A_68 : memref<4096xf32, #tpu.memory_space<vmem_shared>>) target_semaphore(%arg15 : memref<!tpu.dma_semaphore, #tpu.memory_space<semaphore_mem>>)
      %dma_start3A_72 = arith.constant 7 : i32
      %dma_start3A_73 = arith.constant 28672 : i32
      %dma_start3A_74 = tpu.memref_slice %arg7[%dma_start3A_73] : memref<65536xf32, #tpu.memory_space<vmem_shared>> -> memref<4096xf32, #tpu.memory_space<vmem_shared>>
      %dma_start3A_75 = arith.constant 0 : i32
      %dma_start3A_76 = tpu.memref_slice %arg2[%dma_start3A_72, %dma_start3A_75] : memref<16x4096xf32, #tpu.memory_space<hbm>> -> memref<1x4096xf32, #tpu.memory_space<hbm>>
      %dma_start3A_77 = tpu.memref_squeeze %dma_start3A_76 : memref<1x4096xf32, #tpu.memory_space<hbm>> -> memref<4096xf32, #tpu.memory_space<hbm>>
      tpu.enqueue_dma source(%dma_start3A_77 : memref<4096xf32, #tpu.memory_space<hbm>>) target(%dma_start3A_74 : memref<4096xf32, #tpu.memory_space<vmem_shared>>) target_semaphore(%arg15 : memref<!tpu.dma_semaphore, #tpu.memory_space<semaphore_mem>>)
      %dma_start3A_78 = arith.constant 8 : i32
      %dma_start3A_79 = arith.constant 32768 : i32
      %dma_start3A_80 = tpu.memref_slice %arg7[%dma_start3A_79] : memref<65536xf32, #tpu.memory_space<vmem_shared>> -> memref<4096xf32, #tpu.memory_space<vmem_shared>>
      %dma_start3A_81 = arith.constant 0 : i32
      %dma_start3A_82 = tpu.memref_slice %arg2[%dma_start3A_78, %dma_start3A_81] : memref<16x4096xf32, #tpu.memory_space<hbm>> -> memref<1x4096xf32, #tpu.memory_space<hbm>>
      %dma_start3A_83 = tpu.memref_squeeze %dma_start3A_82 : memref<1x4096xf32, #tpu.memory_space<hbm>> -> memref<4096xf32, #tpu.memory_space<hbm>>
      tpu.enqueue_dma source(%dma_start3A_83 : memref<4096xf32, #tpu.memory_space<hbm>>) target(%dma_start3A_80 : memref<4096xf32, #tpu.memory_space<vmem_shared>>) target_semaphore(%arg15 : memref<!tpu.dma_semaphore, #tpu.memory_space<semaphore_mem>>)
      %dma_start3A_84 = arith.constant 9 : i32
      %dma_start3A_85 = arith.constant 36864 : i32
      %dma_start3A_86 = tpu.memref_slice %arg7[%dma_start3A_85] : memref<65536xf32, #tpu.memory_space<vmem_shared>> -> memref<4096xf32, #tpu.memory_space<vmem_shared>>
      %dma_start3A_87 = arith.constant 0 : i32
      %dma_start3A_88 = tpu.memref_slice %arg2[%dma_start3A_84, %dma_start3A_87] : memref<16x4096xf32, #tpu.memory_space<hbm>> -> memref<1x4096xf32, #tpu.memory_space<hbm>>
      %dma_start3A_89 = tpu.memref_squeeze %dma_start3A_88 : memref<1x4096xf32, #tpu.memory_space<hbm>> -> memref<4096xf32, #tpu.memory_space<hbm>>
      tpu.enqueue_dma source(%dma_start3A_89 : memref<4096xf32, #tpu.memory_space<hbm>>) target(%dma_start3A_86 : memref<4096xf32, #tpu.memory_space<vmem_shared>>) target_semaphore(%arg15 : memref<!tpu.dma_semaphore, #tpu.memory_space<semaphore_mem>>)
      %dma_start3A_90 = arith.constant 10 : i32
      %dma_start3A_91 = arith.constant 40960 : i32
      %dma_start3A_92 = tpu.memref_slice %arg7[%dma_start3A_91] : memref<65536xf32, #tpu.memory_space<vmem_shared>> -> memref<4096xf32, #tpu.memory_space<vmem_shared>>
      %dma_start3A_93 = arith.constant 0 : i32
      %dma_start3A_94 = tpu.memref_slice %arg2[%dma_start3A_90, %dma_start3A_93] : memref<16x4096xf32, #tpu.memory_space<hbm>> -> memref<1x4096xf32, #tpu.memory_space<hbm>>
      %dma_start3A_95 = tpu.memref_squeeze %dma_start3A_94 : memref<1x4096xf32, #tpu.memory_space<hbm>> -> memref<4096xf32, #tpu.memory_space<hbm>>
      tpu.enqueue_dma source(%dma_start3A_95 : memref<4096xf32, #tpu.memory_space<hbm>>) target(%dma_start3A_92 : memref<4096xf32, #tpu.memory_space<vmem_shared>>) target_semaphore(%arg15 : memref<!tpu.dma_semaphore, #tpu.memory_space<semaphore_mem>>)
      %dma_start3A_96 = arith.constant 11 : i32
      %dma_start3A_97 = arith.constant 45056 : i32
      %dma_start3A_98 = tpu.memref_slice %arg7[%dma_start3A_97] : memref<65536xf32, #tpu.memory_space<vmem_shared>> -> memref<4096xf32, #tpu.memory_space<vmem_shared>>
      %dma_start3A_99 = arith.constant 0 : i32
      %dma_start3A_100 = tpu.memref_slice %arg2[%dma_start3A_96, %dma_start3A_99] : memref<16x4096xf32, #tpu.memory_space<hbm>> -> memref<1x4096xf32, #tpu.memory_space<hbm>>
      %dma_start3A_101 = tpu.memref_squeeze %dma_start3A_100 : memref<1x4096xf32, #tpu.memory_space<hbm>> -> memref<4096xf32, #tpu.memory_space<hbm>>
      tpu.enqueue_dma source(%dma_start3A_101 : memref<4096xf32, #tpu.memory_space<hbm>>) target(%dma_start3A_98 : memref<4096xf32, #tpu.memory_space<vmem_shared>>) target_semaphore(%arg15 : memref<!tpu.dma_semaphore, #tpu.memory_space<semaphore_mem>>)
      %dma_start3A_102 = arith.constant 12 : i32
      %dma_start3A_103 = arith.constant 49152 : i32
      %dma_start3A_104 = tpu.memref_slice %arg7[%dma_start3A_103] : memref<65536xf32, #tpu.memory_space<vmem_shared>> -> memref<4096xf32, #tpu.memory_space<vmem_shared>>
      %dma_start3A_105 = arith.constant 0 : i32
      %dma_start3A_106 = tpu.memref_slice %arg2[%dma_start3A_102, %dma_start3A_105] : memref<16x4096xf32, #tpu.memory_space<hbm>> -> memref<1x4096xf32, #tpu.memory_space<hbm>>
      %dma_start3A_107 = tpu.memref_squeeze %dma_start3A_106 : memref<1x4096xf32, #tpu.memory_space<hbm>> -> memref<4096xf32, #tpu.memory_space<hbm>>
      tpu.enqueue_dma source(%dma_start3A_107 : memref<4096xf32, #tpu.memory_space<hbm>>) target(%dma_start3A_104 : memref<4096xf32, #tpu.memory_space<vmem_shared>>) target_semaphore(%arg15 : memref<!tpu.dma_semaphore, #tpu.memory_space<semaphore_mem>>)
      %dma_start3A_108 = arith.constant 13 : i32
      %dma_start3A_109 = arith.constant 53248 : i32
      %dma_start3A_110 = tpu.memref_slice %arg7[%dma_start3A_109] : memref<65536xf32, #tpu.memory_space<vmem_shared>> -> memref<4096xf32, #tpu.memory_space<vmem_shared>>
      %dma_start3A_111 = arith.constant 0 : i32
      %dma_start3A_112 = tpu.memref_slice %arg2[%dma_start3A_108, %dma_start3A_111] : memref<16x4096xf32, #tpu.memory_space<hbm>> -> memref<1x4096xf32, #tpu.memory_space<hbm>>
      %dma_start3A_113 = tpu.memref_squeeze %dma_start3A_112 : memref<1x4096xf32, #tpu.memory_space<hbm>> -> memref<4096xf32, #tpu.memory_space<hbm>>
      tpu.enqueue_dma source(%dma_start3A_113 : memref<4096xf32, #tpu.memory_space<hbm>>) target(%dma_start3A_110 : memref<4096xf32, #tpu.memory_space<vmem_shared>>) target_semaphore(%arg15 : memref<!tpu.dma_semaphore, #tpu.memory_space<semaphore_mem>>)
      %dma_start3A_114 = arith.constant 14 : i32
      %dma_start3A_115 = arith.constant 57344 : i32
      %dma_start3A_116 = tpu.memref_slice %arg7[%dma_start3A_115] : memref<65536xf32, #tpu.memory_space<vmem_shared>> -> memref<4096xf32, #tpu.memory_space<vmem_shared>>
      %dma_start3A_117 = arith.constant 0 : i32
      %dma_start3A_118 = tpu.memref_slice %arg2[%dma_start3A_114, %dma_start3A_117] : memref<16x4096xf32, #tpu.memory_space<hbm>> -> memref<1x4096xf32, #tpu.memory_space<hbm>>
      %dma_start3A_119 = tpu.memref_squeeze %dma_start3A_118 : memref<1x4096xf32, #tpu.memory_space<hbm>> -> memref<4096xf32, #tpu.memory_space<hbm>>
      tpu.enqueue_dma source(%dma_start3A_119 : memref<4096xf32, #tpu.memory_space<hbm>>) target(%dma_start3A_116 : memref<4096xf32, #tpu.memory_space<vmem_shared>>) target_semaphore(%arg15 : memref<!tpu.dma_semaphore, #tpu.memory_space<semaphore_mem>>)
      %dma_start3A_120 = arith.constant 15 : i32
      %dma_start3A_121 = arith.constant 61440 : i32
      %dma_start3A_122 = tpu.memref_slice %arg7[%dma_start3A_121] : memref<65536xf32, #tpu.memory_space<vmem_shared>> -> memref<4096xf32, #tpu.memory_space<vmem_shared>>
      %dma_start3A_123 = arith.constant 0 : i32
      %dma_start3A_124 = tpu.memref_slice %arg2[%dma_start3A_120, %dma_start3A_123] : memref<16x4096xf32, #tpu.memory_space<hbm>> -> memref<1x4096xf32, #tpu.memory_space<hbm>>
      %dma_start3A_125 = tpu.memref_squeeze %dma_start3A_124 : memref<1x4096xf32, #tpu.memory_space<hbm>> -> memref<4096xf32, #tpu.memory_space<hbm>>
      tpu.enqueue_dma source(%dma_start3A_125 : memref<4096xf32, #tpu.memory_space<hbm>>) target(%dma_start3A_122 : memref<4096xf32, #tpu.memory_space<vmem_shared>>) target_semaphore(%arg15 : memref<!tpu.dma_semaphore, #tpu.memory_space<semaphore_mem>>)
      %dma_wait3A = arith.constant 0 : i32
      %dma_wait3A_126 = arith.constant 0 : i32
      %dma_wait3A_127 = tpu.memref_slice %arg7[%dma_wait3A_126] : memref<65536xf32, #tpu.memory_space<vmem_shared>> -> memref<4096xf32, #tpu.memory_space<vmem_shared>>
      %dma_wait3A_128 = arith.constant 0 : i32
      %dma_wait3A_129 = tpu.memref_slice %arg2[%dma_wait3A, %dma_wait3A_128] : memref<16x4096xf32, #tpu.memory_space<hbm>> -> memref<1x4096xf32, #tpu.memory_space<hbm>>
      %dma_wait3A_130 = tpu.memref_squeeze %dma_wait3A_129 : memref<1x4096xf32, #tpu.memory_space<hbm>> -> memref<4096xf32, #tpu.memory_space<hbm>>
      tpu.wait_dma2 semaphore(%arg15 : memref<!tpu.dma_semaphore, #tpu.memory_space<semaphore_mem>>) src(%dma_wait3A_130 : memref<4096xf32, #tpu.memory_space<hbm>>) dst(%dma_wait3A_127 : memref<4096xf32, #tpu.memory_space<vmem_shared>>)
      %dma_wait3A_131 = arith.constant 1 : i32
      %dma_wait3A_132 = arith.constant 4096 : i32
      %dma_wait3A_133 = tpu.memref_slice %arg7[%dma_wait3A_132] : memref<65536xf32, #tpu.memory_space<vmem_shared>> -> memref<4096xf32, #tpu.memory_space<vmem_shared>>
      %dma_wait3A_134 = arith.constant 0 : i32
      %dma_wait3A_135 = tpu.memref_slice %arg2[%dma_wait3A_131, %dma_wait3A_134] : memref<16x4096xf32, #tpu.memory_space<hbm>> -> memref<1x4096xf32, #tpu.memory_space<hbm>>
      %dma_wait3A_136 = tpu.memref_squeeze %dma_wait3A_135 : memref<1x4096xf32, #tpu.memory_space<hbm>> -> memref<4096xf32, #tpu.memory_space<hbm>>
      tpu.wait_dma2 semaphore(%arg15 : memref<!tpu.dma_semaphore, #tpu.memory_space<semaphore_mem>>) src(%dma_wait3A_136 : memref<4096xf32, #tpu.memory_space<hbm>>) dst(%dma_wait3A_133 : memref<4096xf32, #tpu.memory_space<vmem_shared>>)
      %dma_wait3A_137 = arith.constant 2 : i32
      %dma_wait3A_138 = arith.constant 8192 : i32
      %dma_wait3A_139 = tpu.memref_slice %arg7[%dma_wait3A_138] : memref<65536xf32, #tpu.memory_space<vmem_shared>> -> memref<4096xf32, #tpu.memory_space<vmem_shared>>
      %dma_wait3A_140 = arith.constant 0 : i32
      %dma_wait3A_141 = tpu.memref_slice %arg2[%dma_wait3A_137, %dma_wait3A_140] : memref<16x4096xf32, #tpu.memory_space<hbm>> -> memref<1x4096xf32, #tpu.memory_space<hbm>>
      %dma_wait3A_142 = tpu.memref_squeeze %dma_wait3A_141 : memref<1x4096xf32, #tpu.memory_space<hbm>> -> memref<4096xf32, #tpu.memory_space<hbm>>
      tpu.wait_dma2 semaphore(%arg15 : memref<!tpu.dma_semaphore, #tpu.memory_space<semaphore_mem>>) src(%dma_wait3A_142 : memref<4096xf32, #tpu.memory_space<hbm>>) dst(%dma_wait3A_139 : memref<4096xf32, #tpu.memory_space<vmem_shared>>)
      %dma_wait3A_143 = arith.constant 3 : i32
      %dma_wait3A_144 = arith.constant 12288 : i32
      %dma_wait3A_145 = tpu.memref_slice %arg7[%dma_wait3A_144] : memref<65536xf32, #tpu.memory_space<vmem_shared>> -> memref<4096xf32, #tpu.memory_space<vmem_shared>>
      %dma_wait3A_146 = arith.constant 0 : i32
      %dma_wait3A_147 = tpu.memref_slice %arg2[%dma_wait3A_143, %dma_wait3A_146] : memref<16x4096xf32, #tpu.memory_space<hbm>> -> memref<1x4096xf32, #tpu.memory_space<hbm>>
      %dma_wait3A_148 = tpu.memref_squeeze %dma_wait3A_147 : memref<1x4096xf32, #tpu.memory_space<hbm>> -> memref<4096xf32, #tpu.memory_space<hbm>>
      tpu.wait_dma2 semaphore(%arg15 : memref<!tpu.dma_semaphore, #tpu.memory_space<semaphore_mem>>) src(%dma_wait3A_148 : memref<4096xf32, #tpu.memory_space<hbm>>) dst(%dma_wait3A_145 : memref<4096xf32, #tpu.memory_space<vmem_shared>>)
      %dma_wait3A_149 = arith.constant 4 : i32
      %dma_wait3A_150 = arith.constant 16384 : i32
      %dma_wait3A_151 = tpu.memref_slice %arg7[%dma_wait3A_150] : memref<65536xf32, #tpu.memory_space<vmem_shared>> -> memref<4096xf32, #tpu.memory_space<vmem_shared>>
      %dma_wait3A_152 = arith.constant 0 : i32
      %dma_wait3A_153 = tpu.memref_slice %arg2[%dma_wait3A_149, %dma_wait3A_152] : memref<16x4096xf32, #tpu.memory_space<hbm>> -> memref<1x4096xf32, #tpu.memory_space<hbm>>
      %dma_wait3A_154 = tpu.memref_squeeze %dma_wait3A_153 : memref<1x4096xf32, #tpu.memory_space<hbm>> -> memref<4096xf32, #tpu.memory_space<hbm>>
      tpu.wait_dma2 semaphore(%arg15 : memref<!tpu.dma_semaphore, #tpu.memory_space<semaphore_mem>>) src(%dma_wait3A_154 : memref<4096xf32, #tpu.memory_space<hbm>>) dst(%dma_wait3A_151 : memref<4096xf32, #tpu.memory_space<vmem_shared>>)
      %dma_wait3A_155 = arith.constant 5 : i32
      %dma_wait3A_156 = arith.constant 20480 : i32
      %dma_wait3A_157 = tpu.memref_slice %arg7[%dma_wait3A_156] : memref<65536xf32, #tpu.memory_space<vmem_shared>> -> memref<4096xf32, #tpu.memory_space<vmem_shared>>
      %dma_wait3A_158 = arith.constant 0 : i32
      %dma_wait3A_159 = tpu.memref_slice %arg2[%dma_wait3A_155, %dma_wait3A_158] : memref<16x4096xf32, #tpu.memory_space<hbm>> -> memref<1x4096xf32, #tpu.memory_space<hbm>>
      %dma_wait3A_160 = tpu.memref_squeeze %dma_wait3A_159 : memref<1x4096xf32, #tpu.memory_space<hbm>> -> memref<4096xf32, #tpu.memory_space<hbm>>
      tpu.wait_dma2 semaphore(%arg15 : memref<!tpu.dma_semaphore, #tpu.memory_space<semaphore_mem>>) src(%dma_wait3A_160 : memref<4096xf32, #tpu.memory_space<hbm>>) dst(%dma_wait3A_157 : memref<4096xf32, #tpu.memory_space<vmem_shared>>)
      %dma_wait3A_161 = arith.constant 6 : i32
      %dma_wait3A_162 = arith.constant 24576 : i32
      %dma_wait3A_163 = tpu.memref_slice %arg7[%dma_wait3A_162] : memref<65536xf32, #tpu.memory_space<vmem_shared>> -> memref<4096xf32, #tpu.memory_space<vmem_shared>>
      %dma_wait3A_164 = arith.constant 0 : i32
      %dma_wait3A_165 = tpu.memref_slice %arg2[%dma_wait3A_161, %dma_wait3A_164] : memref<16x4096xf32, #tpu.memory_space<hbm>> -> memref<1x4096xf32, #tpu.memory_space<hbm>>
      %dma_wait3A_166 = tpu.memref_squeeze %dma_wait3A_165 : memref<1x4096xf32, #tpu.memory_space<hbm>> -> memref<4096xf32, #tpu.memory_space<hbm>>
      tpu.wait_dma2 semaphore(%arg15 : memref<!tpu.dma_semaphore, #tpu.memory_space<semaphore_mem>>) src(%dma_wait3A_166 : memref<4096xf32, #tpu.memory_space<hbm>>) dst(%dma_wait3A_163 : memref<4096xf32, #tpu.memory_space<vmem_shared>>)
      %dma_wait3A_167 = arith.constant 7 : i32
      %dma_wait3A_168 = arith.constant 28672 : i32
      %dma_wait3A_169 = tpu.memref_slice %arg7[%dma_wait3A_168] : memref<65536xf32, #tpu.memory_space<vmem_shared>> -> memref<4096xf32, #tpu.memory_space<vmem_shared>>
      %dma_wait3A_170 = arith.constant 0 : i32
      %dma_wait3A_171 = tpu.memref_slice %arg2[%dma_wait3A_167, %dma_wait3A_170] : memref<16x4096xf32, #tpu.memory_space<hbm>> -> memref<1x4096xf32, #tpu.memory_space<hbm>>
      %dma_wait3A_172 = tpu.memref_squeeze %dma_wait3A_171 : memref<1x4096xf32, #tpu.memory_space<hbm>> -> memref<4096xf32, #tpu.memory_space<hbm>>
      tpu.wait_dma2 semaphore(%arg15 : memref<!tpu.dma_semaphore, #tpu.memory_space<semaphore_mem>>) src(%dma_wait3A_172 : memref<4096xf32, #tpu.memory_space<hbm>>) dst(%dma_wait3A_169 : memref<4096xf32, #tpu.memory_space<vmem_shared>>)
      %dma_wait3A_173 = arith.constant 8 : i32
      %dma_wait3A_174 = arith.constant 32768 : i32
      %dma_wait3A_175 = tpu.memref_slice %arg7[%dma_wait3A_174] : memref<65536xf32, #tpu.memory_space<vmem_shared>> -> memref<4096xf32, #tpu.memory_space<vmem_shared>>
      %dma_wait3A_176 = arith.constant 0 : i32
      %dma_wait3A_177 = tpu.memref_slice %arg2[%dma_wait3A_173, %dma_wait3A_176] : memref<16x4096xf32, #tpu.memory_space<hbm>> -> memref<1x4096xf32, #tpu.memory_space<hbm>>
      %dma_wait3A_178 = tpu.memref_squeeze %dma_wait3A_177 : memref<1x4096xf32, #tpu.memory_space<hbm>> -> memref<4096xf32, #tpu.memory_space<hbm>>
      tpu.wait_dma2 semaphore(%arg15 : memref<!tpu.dma_semaphore, #tpu.memory_space<semaphore_mem>>) src(%dma_wait3A_178 : memref<4096xf32, #tpu.memory_space<hbm>>) dst(%dma_wait3A_175 : memref<4096xf32, #tpu.memory_space<vmem_shared>>)
      %dma_wait3A_179 = arith.constant 9 : i32
      %dma_wait3A_180 = arith.constant 36864 : i32
      %dma_wait3A_181 = tpu.memref_slice %arg7[%dma_wait3A_180] : memref<65536xf32, #tpu.memory_space<vmem_shared>> -> memref<4096xf32, #tpu.memory_space<vmem_shared>>
      %dma_wait3A_182 = arith.constant 0 : i32
      %dma_wait3A_183 = tpu.memref_slice %arg2[%dma_wait3A_179, %dma_wait3A_182] : memref<16x4096xf32, #tpu.memory_space<hbm>> -> memref<1x4096xf32, #tpu.memory_space<hbm>>
      %dma_wait3A_184 = tpu.memref_squeeze %dma_wait3A_183 : memref<1x4096xf32, #tpu.memory_space<hbm>> -> memref<4096xf32, #tpu.memory_space<hbm>>
      tpu.wait_dma2 semaphore(%arg15 : memref<!tpu.dma_semaphore, #tpu.memory_space<semaphore_mem>>) src(%dma_wait3A_184 : memref<4096xf32, #tpu.memory_space<hbm>>) dst(%dma_wait3A_181 : memref<4096xf32, #tpu.memory_space<vmem_shared>>)
      %dma_wait3A_185 = arith.constant 10 : i32
      %dma_wait3A_186 = arith.constant 40960 : i32
      %dma_wait3A_187 = tpu.memref_slice %arg7[%dma_wait3A_186] : memref<65536xf32, #tpu.memory_space<vmem_shared>> -> memref<4096xf32, #tpu.memory_space<vmem_shared>>
      %dma_wait3A_188 = arith.constant 0 : i32
      %dma_wait3A_189 = tpu.memref_slice %arg2[%dma_wait3A_185, %dma_wait3A_188] : memref<16x4096xf32, #tpu.memory_space<hbm>> -> memref<1x4096xf32, #tpu.memory_space<hbm>>
      %dma_wait3A_190 = tpu.memref_squeeze %dma_wait3A_189 : memref<1x4096xf32, #tpu.memory_space<hbm>> -> memref<4096xf32, #tpu.memory_space<hbm>>
      tpu.wait_dma2 semaphore(%arg15 : memref<!tpu.dma_semaphore, #tpu.memory_space<semaphore_mem>>) src(%dma_wait3A_190 : memref<4096xf32, #tpu.memory_space<hbm>>) dst(%dma_wait3A_187 : memref<4096xf32, #tpu.memory_space<vmem_shared>>)
      %dma_wait3A_191 = arith.constant 11 : i32
      %dma_wait3A_192 = arith.constant 45056 : i32
      %dma_wait3A_193 = tpu.memref_slice %arg7[%dma_wait3A_192] : memref<65536xf32, #tpu.memory_space<vmem_shared>> -> memref<4096xf32, #tpu.memory_space<vmem_shared>>
      %dma_wait3A_194 = arith.constant 0 : i32
      %dma_wait3A_195 = tpu.memref_slice %arg2[%dma_wait3A_191, %dma_wait3A_194] : memref<16x4096xf32, #tpu.memory_space<hbm>> -> memref<1x4096xf32, #tpu.memory_space<hbm>>
      %dma_wait3A_196 = tpu.memref_squeeze %dma_wait3A_195 : memref<1x4096xf32, #tpu.memory_space<hbm>> -> memref<4096xf32, #tpu.memory_space<hbm>>
      tpu.wait_dma2 semaphore(%arg15 : memref<!tpu.dma_semaphore, #tpu.memory_space<semaphore_mem>>) src(%dma_wait3A_196 : memref<4096xf32, #tpu.memory_space<hbm>>) dst(%dma_wait3A_193 : memref<4096xf32, #tpu.memory_space<vmem_shared>>)
      %dma_wait3A_197 = arith.constant 12 : i32
      %dma_wait3A_198 = arith.constant 49152 : i32
      %dma_wait3A_199 = tpu.memref_slice %arg7[%dma_wait3A_198] : memref<65536xf32, #tpu.memory_space<vmem_shared>> -> memref<4096xf32, #tpu.memory_space<vmem_shared>>
      %dma_wait3A_200 = arith.constant 0 : i32
      %dma_wait3A_201 = tpu.memref_slice %arg2[%dma_wait3A_197, %dma_wait3A_200] : memref<16x4096xf32, #tpu.memory_space<hbm>> -> memref<1x4096xf32, #tpu.memory_space<hbm>>
      %dma_wait3A_202 = tpu.memref_squeeze %dma_wait3A_201 : memref<1x4096xf32, #tpu.memory_space<hbm>> -> memref<4096xf32, #tpu.memory_space<hbm>>
      tpu.wait_dma2 semaphore(%arg15 : memref<!tpu.dma_semaphore, #tpu.memory_space<semaphore_mem>>) src(%dma_wait3A_202 : memref<4096xf32, #tpu.memory_space<hbm>>) dst(%dma_wait3A_199 : memref<4096xf32, #tpu.memory_space<vmem_shared>>)
      %dma_wait3A_203 = arith.constant 13 : i32
      %dma_wait3A_204 = arith.constant 53248 : i32
      %dma_wait3A_205 = tpu.memref_slice %arg7[%dma_wait3A_204] : memref<65536xf32, #tpu.memory_space<vmem_shared>> -> memref<4096xf32, #tpu.memory_space<vmem_shared>>
      %dma_wait3A_206 = arith.constant 0 : i32
      %dma_wait3A_207 = tpu.memref_slice %arg2[%dma_wait3A_203, %dma_wait3A_206] : memref<16x4096xf32, #tpu.memory_space<hbm>> -> memref<1x4096xf32, #tpu.memory_space<hbm>>
      %dma_wait3A_208 = tpu.memref_squeeze %dma_wait3A_207 : memref<1x4096xf32, #tpu.memory_space<hbm>> -> memref<4096xf32, #tpu.memory_space<hbm>>
      tpu.wait_dma2 semaphore(%arg15 : memref<!tpu.dma_semaphore, #tpu.memory_space<semaphore_mem>>) src(%dma_wait3A_208 : memref<4096xf32, #tpu.memory_space<hbm>>) dst(%dma_wait3A_205 : memref<4096xf32, #tpu.memory_space<vmem_shared>>)
      %dma_wait3A_209 = arith.constant 14 : i32
      %dma_wait3A_210 = arith.constant 57344 : i32
      %dma_wait3A_211 = tpu.memref_slice %arg7[%dma_wait3A_210] : memref<65536xf32, #tpu.memory_space<vmem_shared>> -> memref<4096xf32, #tpu.memory_space<vmem_shared>>
      %dma_wait3A_212 = arith.constant 0 : i32
      %dma_wait3A_213 = tpu.memref_slice %arg2[%dma_wait3A_209, %dma_wait3A_212] : memref<16x4096xf32, #tpu.memory_space<hbm>> -> memref<1x4096xf32, #tpu.memory_space<hbm>>
      %dma_wait3A_214 = tpu.memref_squeeze %dma_wait3A_213 : memref<1x4096xf32, #tpu.memory_space<hbm>> -> memref<4096xf32, #tpu.memory_space<hbm>>
      tpu.wait_dma2 semaphore(%arg15 : memref<!tpu.dma_semaphore, #tpu.memory_space<semaphore_mem>>) src(%dma_wait3A_214 : memref<4096xf32, #tpu.memory_space<hbm>>) dst(%dma_wait3A_211 : memref<4096xf32, #tpu.memory_space<vmem_shared>>)
      %dma_wait3A_215 = arith.constant 15 : i32
      %dma_wait3A_216 = arith.constant 61440 : i32
      %dma_wait3A_217 = tpu.memref_slice %arg7[%dma_wait3A_216] : memref<65536xf32, #tpu.memory_space<vmem_shared>> -> memref<4096xf32, #tpu.memory_space<vmem_shared>>
      %dma_wait3A_218 = arith.constant 0 : i32
      %dma_wait3A_219 = tpu.memref_slice %arg2[%dma_wait3A_215, %dma_wait3A_218] : memref<16x4096xf32, #tpu.memory_space<hbm>> -> memref<1x4096xf32, #tpu.memory_space<hbm>>
      %dma_wait3A_220 = tpu.memref_squeeze %dma_wait3A_219 : memref<1x4096xf32, #tpu.memory_space<hbm>> -> memref<4096xf32, #tpu.memory_space<hbm>>
      tpu.wait_dma2 semaphore(%arg15 : memref<!tpu.dma_semaphore, #tpu.memory_space<semaphore_mem>>) src(%dma_wait3A_220 : memref<4096xf32, #tpu.memory_space<hbm>>) dst(%dma_wait3A_217 : memref<4096xf32, #tpu.memory_space<vmem_shared>>)
    } else {
    }
    %barrier3A = arith.constant 0 : index
    tpu.barrier barrier_id(%barrier3A)
    "tpu.region"() ({
      %run_scoped3A = tpu.sem_alloc : memref<!tpu.dma_semaphore, #tpu.memory_space<semaphore_mem>>
      tpu.enqueue_dma source(%arg7 : memref<65536xf32, #tpu.memory_space<vmem_shared>>) target(%arg6 : memref<65536xf32, #tpu.memory_space<vmem>>) target_semaphore(%run_scoped3A : memref<!tpu.dma_semaphore, #tpu.memory_space<semaphore_mem>>)
      tpu.wait_dma2 semaphore(%run_scoped3A : memref<!tpu.dma_semaphore, #tpu.memory_space<semaphore_mem>>) src(%arg7 : memref<65536xf32, #tpu.memory_space<vmem_shared>>) dst(%arg6 : memref<65536xf32, #tpu.memory_space<vmem>>)
      tpu.yield
    }) : () -> ()
    %scan3A = arith.constant 0 : i32
    %scan3A_24 = arith.constant 0 : i32
    %scan3A_25 = arith.constant 4 : i32
    %scan3A_26 = arith.addi %scan3A_24, %scan3A_25 : i32
    %scan3A_27 = arith.constant 1 : i32
    %scan3A_28 = scf.for %scan3A_30 = %scan3A_24 to %scan3A_26 step %scan3A_27 iter_args(%scan3A_31 = %scan3A) -> (i32)  : i32 {
      %mul3A_32 = arith.constant 2 : i32
      %mul3A_33 = arith.muli %scan3A_30, %mul3A_32 : i32
      %add3A_34 = arith.constant 0 : i32
      %add3A_35 = arith.addi %mul3A_33, %add3A_34 : i32
      %mul3A_36 = arith.constant 128 : i32
      %mul3A_37 = arith.muli %add3A_35, %mul3A_36 : i32
      %add3A_38 = arith.addi %mul3A_2, %mul3A_37 : i32
      %dma_wait3A = arith.constant 0 : i32
      %dma_wait3A_39 = tpu.memref_slice %arg3[%dma_wait3A, %add3A_38] : memref<64x32768xi32, #tpu.memory_space<hbm>> -> memref<64x128xi32, #tpu.memory_space<hbm>>
      %dma_wait3A_40 = arith.constant 0 : i32
      %dma_wait3A_41 = tpu.memref_slice %arg3[%dma_wait3A_40, %add3A_38] : memref<64x32768xi32, #tpu.memory_space<hbm>> -> memref<64x128xi32, #tpu.memory_space<hbm>>
      tpu.wait_dma2 semaphore(%arg13 : memref<!tpu.dma_semaphore, #tpu.memory_space<semaphore_mem>>) src(%dma_wait3A_41 : memref<64x128xi32, #tpu.memory_space<hbm>>) dst(%arg8 : memref<64x128xi32, #tpu.memory_space<vmem>>)
      %dma_wait3A_42 = arith.constant 0 : i32
      %dma_wait3A_43 = tpu.memref_slice %arg4[%dma_wait3A_42, %add3A_38] : memref<64x32768xf32, #tpu.memory_space<hbm>> -> memref<64x128xf32, #tpu.memory_space<hbm>>
      %dma_wait3A_44 = arith.constant 0 : i32
      %dma_wait3A_45 = tpu.memref_slice %arg4[%dma_wait3A_44, %add3A_38] : memref<64x32768xf32, #tpu.memory_space<hbm>> -> memref<64x128xf32, #tpu.memory_space<hbm>>
      tpu.wait_dma2 semaphore(%arg13 : memref<!tpu.dma_semaphore, #tpu.memory_space<semaphore_mem>>) src(%dma_wait3A_45 : memref<64x128xf32, #tpu.memory_space<hbm>>) dst(%arg10 : memref<64x128xf32, #tpu.memory_space<vmem>>)
      %scan3A_46 = arith.constant 0 : i32
      %scan3A_47 = arith.constant 0 : i32
      %scan3A_48 = arith.constant 8 : i32
      %scan3A_49 = arith.addi %scan3A_47, %scan3A_48 : i32
      %scan3A_50 = arith.constant 1 : i32
      %scan3A_51 = scf.for %scan3A_89 = %scan3A_47 to %scan3A_49 step %scan3A_50 iter_args(%scan3A_90 = %scan3A_46) -> (i32)  : i32 {
        %mul3A_91 = arith.constant 16 : i32
        %mul3A_92 = arith.muli %scan3A_89, %mul3A_91 : i32
        %broadcast_in_dim3A = arith.constant 0.000000e+00 : f32
        %broadcast_in_dim3A_93 = vector.broadcast %broadcast_in_dim3A : f32 to vector<16xf32>
        %scan3A_94 = arith.constant 0 : i32
        %scan3A_95 = arith.constant 64 : i32
        %scan3A_96 = arith.addi %scan3A_94, %scan3A_95 : i32
        %scan3A_97 = arith.constant 8 : i32
        %scan3A_98 = scf.for %scan3A_107 = %scan3A_94 to %scan3A_96 step %scan3A_97 iter_args(%scan3A_108 = %broadcast_in_dim3A_93) -> (vector<16xf32>)  : i32 {
          %get3A = arith.index_cast %scan3A_107 : i32 to index
          %get3A_109 = arith.index_cast %mul3A_92 : i32 to index
          %get3A_110 = tpu.vector_load %arg8[%get3A, %get3A_109] {strides = array<i32>} : memref<64x128xi32, #tpu.memory_space<vmem>>, vector<16xi32>,
          %get3A_111 = arith.index_cast %scan3A_107 : i32 to index
          %get3A_112 = arith.index_cast %mul3A_92 : i32 to index
          %get3A_113 = tpu.vector_load %arg10[%get3A_111, %get3A_112] {strides = array<i32>} : memref<64x128xf32, #tpu.memory_space<vmem>>, vector<16xf32>,
          %gather3A = tpu.vector_load_idx %arg6[%get3A_110] : memref<65536xf32, #tpu.memory_space<vmem>>[vector<16xi32>], vector<16xf32>,
          %mul3A_114 = arith.mulf %gather3A, %get3A_113 : vector<16xf32>
          %add3A_115 = arith.addf %scan3A_108, %mul3A_114 : vector<16xf32>
          %scan3A_116 = arith.constant 1 : i32
          %scan3A_117 = arith.addi %scan3A_107, %scan3A_116 : i32
          %get3A_118 = arith.index_cast %scan3A_117 : i32 to index
          %get3A_119 = arith.index_cast %mul3A_92 : i32 to index
          %get3A_120 = tpu.vector_load %arg8[%get3A_118, %get3A_119] {strides = array<i32>} : memref<64x128xi32, #tpu.memory_space<vmem>>, vector<16xi32>,
          %get3A_121 = arith.index_cast %scan3A_117 : i32 to index
          %get3A_122 = arith.index_cast %mul3A_92 : i32 to index
          %get3A_123 = tpu.vector_load %arg10[%get3A_121, %get3A_122] {strides = array<i32>} : memref<64x128xf32, #tpu.memory_space<vmem>>, vector<16xf32>,
          %gather3A_124 = tpu.vector_load_idx %arg6[%get3A_120] : memref<65536xf32, #tpu.memory_space<vmem>>[vector<16xi32>], vector<16xf32>,
          %mul3A_125 = arith.mulf %gather3A_124, %get3A_123 : vector<16xf32>
          %add3A_126 = arith.addf %add3A_115, %mul3A_125 : vector<16xf32>
          %scan3A_127 = arith.constant 2 : i32
          %scan3A_128 = arith.addi %scan3A_107, %scan3A_127 : i32
          %get3A_129 = arith.index_cast %scan3A_128 : i32 to index
          %get3A_130 = arith.index_cast %mul3A_92 : i32 to index
          %get3A_131 = tpu.vector_load %arg8[%get3A_129, %get3A_130] {strides = array<i32>} : memref<64x128xi32, #tpu.memory_space<vmem>>, vector<16xi32>,
          %get3A_132 = arith.index_cast %scan3A_128 : i32 to index
          %get3A_133 = arith.index_cast %mul3A_92 : i32 to index
          %get3A_134 = tpu.vector_load %arg10[%get3A_132, %get3A_133] {strides = array<i32>} : memref<64x128xf32, #tpu.memory_space<vmem>>, vector<16xf32>,
          %gather3A_135 = tpu.vector_load_idx %arg6[%get3A_131] : memref<65536xf32, #tpu.memory_space<vmem>>[vector<16xi32>], vector<16xf32>,
          %mul3A_136 = arith.mulf %gather3A_135, %get3A_134 : vector<16xf32>
          %add3A_137 = arith.addf %add3A_126, %mul3A_136 : vector<16xf32>
          %scan3A_138 = arith.constant 3 : i32
          %scan3A_139 = arith.addi %scan3A_107, %scan3A_138 : i32
          %get3A_140 = arith.index_cast %scan3A_139 : i32 to index
          %get3A_141 = arith.index_cast %mul3A_92 : i32 to index
          %get3A_142 = tpu.vector_load %arg8[%get3A_140, %get3A_141] {strides = array<i32>} : memref<64x128xi32, #tpu.memory_space<vmem>>, vector<16xi32>,
          %get3A_143 = arith.index_cast %scan3A_139 : i32 to index
          %get3A_144 = arith.index_cast %mul3A_92 : i32 to index
          %get3A_145 = tpu.vector_load %arg10[%get3A_143, %get3A_144] {strides = array<i32>} : memref<64x128xf32, #tpu.memory_space<vmem>>, vector<16xf32>,
          %gather3A_146 = tpu.vector_load_idx %arg6[%get3A_142] : memref<65536xf32, #tpu.memory_space<vmem>>[vector<16xi32>], vector<16xf32>,
          %mul3A_147 = arith.mulf %gather3A_146, %get3A_145 : vector<16xf32>
          %add3A_148 = arith.addf %add3A_137, %mul3A_147 : vector<16xf32>
          %scan3A_149 = arith.constant 4 : i32
          %scan3A_150 = arith.addi %scan3A_107, %scan3A_149 : i32
          %get3A_151 = arith.index_cast %scan3A_150 : i32 to index
          %get3A_152 = arith.index_cast %mul3A_92 : i32 to index
          %get3A_153 = tpu.vector_load %arg8[%get3A_151, %get3A_152] {strides = array<i32>} : memref<64x128xi32, #tpu.memory_space<vmem>>, vector<16xi32>,
          %get3A_154 = arith.index_cast %scan3A_150 : i32 to index
          %get3A_155 = arith.index_cast %mul3A_92 : i32 to index
          %get3A_156 = tpu.vector_load %arg10[%get3A_154, %get3A_155] {strides = array<i32>} : memref<64x128xf32, #tpu.memory_space<vmem>>, vector<16xf32>,
          %gather3A_157 = tpu.vector_load_idx %arg6[%get3A_153] : memref<65536xf32, #tpu.memory_space<vmem>>[vector<16xi32>], vector<16xf32>,
          %mul3A_158 = arith.mulf %gather3A_157, %get3A_156 : vector<16xf32>
          %add3A_159 = arith.addf %add3A_148, %mul3A_158 : vector<16xf32>
          %scan3A_160 = arith.constant 5 : i32
          %scan3A_161 = arith.addi %scan3A_107, %scan3A_160 : i32
          %get3A_162 = arith.index_cast %scan3A_161 : i32 to index
          %get3A_163 = arith.index_cast %mul3A_92 : i32 to index
          %get3A_164 = tpu.vector_load %arg8[%get3A_162, %get3A_163] {strides = array<i32>} : memref<64x128xi32, #tpu.memory_space<vmem>>, vector<16xi32>,
          %get3A_165 = arith.index_cast %scan3A_161 : i32 to index
          %get3A_166 = arith.index_cast %mul3A_92 : i32 to index
          %get3A_167 = tpu.vector_load %arg10[%get3A_165, %get3A_166] {strides = array<i32>} : memref<64x128xf32, #tpu.memory_space<vmem>>, vector<16xf32>,
          %gather3A_168 = tpu.vector_load_idx %arg6[%get3A_164] : memref<65536xf32, #tpu.memory_space<vmem>>[vector<16xi32>], vector<16xf32>,
          %mul3A_169 = arith.mulf %gather3A_168, %get3A_167 : vector<16xf32>
          %add3A_170 = arith.addf %add3A_159, %mul3A_169 : vector<16xf32>
          %scan3A_171 = arith.constant 6 : i32
          %scan3A_172 = arith.addi %scan3A_107, %scan3A_171 : i32
          %get3A_173 = arith.index_cast %scan3A_172 : i32 to index
          %get3A_174 = arith.index_cast %mul3A_92 : i32 to index
          %get3A_175 = tpu.vector_load %arg8[%get3A_173, %get3A_174] {strides = array<i32>} : memref<64x128xi32, #tpu.memory_space<vmem>>, vector<16xi32>,
          %get3A_176 = arith.index_cast %scan3A_172 : i32 to index
          %get3A_177 = arith.index_cast %mul3A_92 : i32 to index
          %get3A_178 = tpu.vector_load %arg10[%get3A_176, %get3A_177] {strides = array<i32>} : memref<64x128xf32, #tpu.memory_space<vmem>>, vector<16xf32>,
          %gather3A_179 = tpu.vector_load_idx %arg6[%get3A_175] : memref<65536xf32, #tpu.memory_space<vmem>>[vector<16xi32>], vector<16xf32>,
          %mul3A_180 = arith.mulf %gather3A_179, %get3A_178 : vector<16xf32>
          %add3A_181 = arith.addf %add3A_170, %mul3A_180 : vector<16xf32>
          %scan3A_182 = arith.constant 7 : i32
          %scan3A_183 = arith.addi %scan3A_107, %scan3A_182 : i32
          %get3A_184 = arith.index_cast %scan3A_183 : i32 to index
          %get3A_185 = arith.index_cast %mul3A_92 : i32 to index
          %get3A_186 = tpu.vector_load %arg8[%get3A_184, %get3A_185] {strides = array<i32>} : memref<64x128xi32, #tpu.memory_space<vmem>>, vector<16xi32>,
          %get3A_187 = arith.index_cast %scan3A_183 : i32 to index
          %get3A_188 = arith.index_cast %mul3A_92 : i32 to index
          %get3A_189 = tpu.vector_load %arg10[%get3A_187, %get3A_188] {strides = array<i32>} : memref<64x128xf32, #tpu.memory_space<vmem>>, vector<16xf32>,
          %gather3A_190 = tpu.vector_load_idx %arg6[%get3A_186] : memref<65536xf32, #tpu.memory_space<vmem>>[vector<16xi32>], vector<16xf32>,
          %mul3A_191 = arith.mulf %gather3A_190, %get3A_189 : vector<16xf32>
          %add3A_192 = arith.addf %add3A_181, %mul3A_191 : vector<16xf32>
          scf.yield %add3A_192 : vector<16xf32>
        }
        %scan3A_99 = arith.constant 64 : i32
        %mul3A_100 = arith.constant 128 : i32
        %mul3A_101 = arith.muli %add3A_35, %mul3A_100 : i32
        %mul3A_102 = arith.constant 16 : i32
        %mul3A_103 = arith.muli %scan3A_89, %mul3A_102 : i32
        %add3A_104 = arith.addi %mul3A_101, %mul3A_103 : i32
        %swap3A = arith.index_cast %add3A_104 : i32 to index
        %swap3A_105 = tpu.vector_load %arg12[%swap3A] {strides = array<i32>} : memref<1024xf32, #tpu.memory_space<vmem>>, vector<16xf32>,
        tpu.vector_store %arg12[%swap3A], %scan3A_98 {strides = array<i32>} : memref<1024xf32, #tpu.memory_space<vmem>>, vector<16xf32>,
        %scan3A_106 = arith.constant 0 : i32
        scf.yield %scan3A_106 : i32
      }
      %scan3A_52 = arith.constant 8 : i32
      %add3A_53 = arith.constant 2 : i32
      %add3A_54 = arith.addi %add3A_35, %add3A_53 : i32
      %lt3A = arith.constant 8 : i32
      %lt3A_55 = arith.cmpi slt, %add3A_54, %lt3A : i32
      %convert_element_type3A_56 = arith.extui %lt3A_55 : i1 to i32
      %cond3A_57 = arith.constant 0 : i32
      %cond3A_58 = arith.cmpi ne, %convert_element_type3A_56, %cond3A_57 : i32
      scf.if %cond3A_58 {
        %add3A_89 = arith.constant 2 : i32
        %add3A_90 = arith.addi %add3A_35, %add3A_89 : i32
        %mul3A_91 = arith.constant 128 : i32
        %mul3A_92 = arith.muli %add3A_90, %mul3A_91 : i32
        %add3A_93 = arith.addi %mul3A_2, %mul3A_92 : i32
        %dma_start3A_94 = arith.constant 0 : i32
        %dma_start3A_95 = tpu.memref_slice %arg3[%dma_start3A_94, %add3A_93] : memref<64x32768xi32, #tpu.memory_space<hbm>> -> memref<64x128xi32, #tpu.memory_space<hbm>>
        %dma_start3A_96 = arith.constant 0 : i32
        %dma_start3A_97 = tpu.memref_slice %arg3[%dma_start3A_96, %add3A_93] : memref<64x32768xi32, #tpu.memory_space<hbm>> -> memref<64x128xi32, #tpu.memory_space<hbm>>
        tpu.enqueue_dma source(%dma_start3A_97 : memref<64x128xi32, #tpu.memory_space<hbm>>) target(%arg8 : memref<64x128xi32, #tpu.memory_space<vmem>>) target_semaphore(%arg13 : memref<!tpu.dma_semaphore, #tpu.memory_space<semaphore_mem>>)
        %dma_start3A_98 = arith.constant 0 : i32
        %dma_start3A_99 = tpu.memref_slice %arg4[%dma_start3A_98, %add3A_93] : memref<64x32768xf32, #tpu.memory_space<hbm>> -> memref<64x128xf32, #tpu.memory_space<hbm>>
        %dma_start3A_100 = arith.constant 0 : i32
        %dma_start3A_101 = tpu.memref_slice %arg4[%dma_start3A_100, %add3A_93] : memref<64x32768xf32, #tpu.memory_space<hbm>> -> memref<64x128xf32, #tpu.memory_space<hbm>>
        tpu.enqueue_dma source(%dma_start3A_101 : memref<64x128xf32, #tpu.memory_space<hbm>>) target(%arg10 : memref<64x128xf32, #tpu.memory_space<vmem>>) target_semaphore(%arg13 : memref<!tpu.dma_semaphore, #tpu.memory_space<semaphore_mem>>)
      } else {
      }
      %mul3A_59 = arith.constant 2 : i32
      %mul3A_60 = arith.muli %scan3A_30, %mul3A_59 : i32
      %add3A_61 = arith.constant 1 : i32
      %add3A_62 = arith.addi %mul3A_60, %add3A_61 : i32
      %mul3A_63 = arith.constant 128 : i32
      %mul3A_64 = arith.muli %add3A_62, %mul3A_63 : i32
      %add3A_65 = arith.addi %mul3A_2, %mul3A_64 : i32
      %dma_wait3A_66 = arith.constant 0 : i32
      %dma_wait3A_67 = tpu.memref_slice %arg3[%dma_wait3A_66, %add3A_65] : memref<64x32768xi32, #tpu.memory_space<hbm>> -> memref<64x128xi32, #tpu.memory_space<hbm>>
      %dma_wait3A_68 = arith.constant 0 : i32
      %dma_wait3A_69 = tpu.memref_slice %arg3[%dma_wait3A_68, %add3A_65] : memref<64x32768xi32, #tpu.memory_space<hbm>> -> memref<64x128xi32, #tpu.memory_space<hbm>>
      tpu.wait_dma2 semaphore(%arg14 : memref<!tpu.dma_semaphore, #tpu.memory_space<semaphore_mem>>) src(%dma_wait3A_69 : memref<64x128xi32, #tpu.memory_space<hbm>>) dst(%arg9 : memref<64x128xi32, #tpu.memory_space<vmem>>)
      %dma_wait3A_70 = arith.constant 0 : i32
      %dma_wait3A_71 = tpu.memref_slice %arg4[%dma_wait3A_70, %add3A_65] : memref<64x32768xf32, #tpu.memory_space<hbm>> -> memref<64x128xf32, #tpu.memory_space<hbm>>
      %dma_wait3A_72 = arith.constant 0 : i32
      %dma_wait3A_73 = tpu.memref_slice %arg4[%dma_wait3A_72, %add3A_65] : memref<64x32768xf32, #tpu.memory_space<hbm>> -> memref<64x128xf32, #tpu.memory_space<hbm>>
      tpu.wait_dma2 semaphore(%arg14 : memref<!tpu.dma_semaphore, #tpu.memory_space<semaphore_mem>>) src(%dma_wait3A_73 : memref<64x128xf32, #tpu.memory_space<hbm>>) dst(%arg11 : memref<64x128xf32, #tpu.memory_space<vmem>>)
      %scan3A_74 = arith.constant 0 : i32
      %scan3A_75 = arith.constant 0 : i32
      %scan3A_76 = arith.constant 8 : i32
      %scan3A_77 = arith.addi %scan3A_75, %scan3A_76 : i32
      %scan3A_78 = arith.constant 1 : i32
      %scan3A_79 = scf.for %scan3A_89 = %scan3A_75 to %scan3A_77 step %scan3A_78 iter_args(%scan3A_90 = %scan3A_74) -> (i32)  : i32 {
        %mul3A_91 = arith.constant 16 : i32
        %mul3A_92 = arith.muli %scan3A_89, %mul3A_91 : i32
        %broadcast_in_dim3A = arith.constant 0.000000e+00 : f32
        %broadcast_in_dim3A_93 = vector.broadcast %broadcast_in_dim3A : f32 to vector<16xf32>
        %scan3A_94 = arith.constant 0 : i32
        %scan3A_95 = arith.constant 64 : i32
        %scan3A_96 = arith.addi %scan3A_94, %scan3A_95 : i32
        %scan3A_97 = arith.constant 8 : i32
        %scan3A_98 = scf.for %scan3A_107 = %scan3A_94 to %scan3A_96 step %scan3A_97 iter_args(%scan3A_108 = %broadcast_in_dim3A_93) -> (vector<16xf32>)  : i32 {
          %get3A = arith.index_cast %scan3A_107 : i32 to index
          %get3A_109 = arith.index_cast %mul3A_92 : i32 to index
          %get3A_110 = tpu.vector_load %arg9[%get3A, %get3A_109] {strides = array<i32>} : memref<64x128xi32, #tpu.memory_space<vmem>>, vector<16xi32>,
          %get3A_111 = arith.index_cast %scan3A_107 : i32 to index
          %get3A_112 = arith.index_cast %mul3A_92 : i32 to index
          %get3A_113 = tpu.vector_load %arg11[%get3A_111, %get3A_112] {strides = array<i32>} : memref<64x128xf32, #tpu.memory_space<vmem>>, vector<16xf32>,
          %gather3A = tpu.vector_load_idx %arg6[%get3A_110] : memref<65536xf32, #tpu.memory_space<vmem>>[vector<16xi32>], vector<16xf32>,
          %mul3A_114 = arith.mulf %gather3A, %get3A_113 : vector<16xf32>
          %add3A_115 = arith.addf %scan3A_108, %mul3A_114 : vector<16xf32>
          %scan3A_116 = arith.constant 1 : i32
          %scan3A_117 = arith.addi %scan3A_107, %scan3A_116 : i32
          %get3A_118 = arith.index_cast %scan3A_117 : i32 to index
          %get3A_119 = arith.index_cast %mul3A_92 : i32 to index
          %get3A_120 = tpu.vector_load %arg9[%get3A_118, %get3A_119] {strides = array<i32>} : memref<64x128xi32, #tpu.memory_space<vmem>>, vector<16xi32>,
          %get3A_121 = arith.index_cast %scan3A_117 : i32 to index
          %get3A_122 = arith.index_cast %mul3A_92 : i32 to index
          %get3A_123 = tpu.vector_load %arg11[%get3A_121, %get3A_122] {strides = array<i32>} : memref<64x128xf32, #tpu.memory_space<vmem>>, vector<16xf32>,
          %gather3A_124 = tpu.vector_load_idx %arg6[%get3A_120] : memref<65536xf32, #tpu.memory_space<vmem>>[vector<16xi32>], vector<16xf32>,
          %mul3A_125 = arith.mulf %gather3A_124, %get3A_123 : vector<16xf32>
          %add3A_126 = arith.addf %add3A_115, %mul3A_125 : vector<16xf32>
          %scan3A_127 = arith.constant 2 : i32
          %scan3A_128 = arith.addi %scan3A_107, %scan3A_127 : i32
          %get3A_129 = arith.index_cast %scan3A_128 : i32 to index
          %get3A_130 = arith.index_cast %mul3A_92 : i32 to index
          %get3A_131 = tpu.vector_load %arg9[%get3A_129, %get3A_130] {strides = array<i32>} : memref<64x128xi32, #tpu.memory_space<vmem>>, vector<16xi32>,
          %get3A_132 = arith.index_cast %scan3A_128 : i32 to index
          %get3A_133 = arith.index_cast %mul3A_92 : i32 to index
          %get3A_134 = tpu.vector_load %arg11[%get3A_132, %get3A_133] {strides = array<i32>} : memref<64x128xf32, #tpu.memory_space<vmem>>, vector<16xf32>,
          %gather3A_135 = tpu.vector_load_idx %arg6[%get3A_131] : memref<65536xf32, #tpu.memory_space<vmem>>[vector<16xi32>], vector<16xf32>,
          %mul3A_136 = arith.mulf %gather3A_135, %get3A_134 : vector<16xf32>
          %add3A_137 = arith.addf %add3A_126, %mul3A_136 : vector<16xf32>
          %scan3A_138 = arith.constant 3 : i32
          %scan3A_139 = arith.addi %scan3A_107, %scan3A_138 : i32
          %get3A_140 = arith.index_cast %scan3A_139 : i32 to index
          %get3A_141 = arith.index_cast %mul3A_92 : i32 to index
          %get3A_142 = tpu.vector_load %arg9[%get3A_140, %get3A_141] {strides = array<i32>} : memref<64x128xi32, #tpu.memory_space<vmem>>, vector<16xi32>,
          %get3A_143 = arith.index_cast %scan3A_139 : i32 to index
          %get3A_144 = arith.index_cast %mul3A_92 : i32 to index
          %get3A_145 = tpu.vector_load %arg11[%get3A_143, %get3A_144] {strides = array<i32>} : memref<64x128xf32, #tpu.memory_space<vmem>>, vector<16xf32>,
          %gather3A_146 = tpu.vector_load_idx %arg6[%get3A_142] : memref<65536xf32, #tpu.memory_space<vmem>>[vector<16xi32>], vector<16xf32>,
          %mul3A_147 = arith.mulf %gather3A_146, %get3A_145 : vector<16xf32>
          %add3A_148 = arith.addf %add3A_137, %mul3A_147 : vector<16xf32>
          %scan3A_149 = arith.constant 4 : i32
          %scan3A_150 = arith.addi %scan3A_107, %scan3A_149 : i32
          %get3A_151 = arith.index_cast %scan3A_150 : i32 to index
          %get3A_152 = arith.index_cast %mul3A_92 : i32 to index
          %get3A_153 = tpu.vector_load %arg9[%get3A_151, %get3A_152] {strides = array<i32>} : memref<64x128xi32, #tpu.memory_space<vmem>>, vector<16xi32>,
          %get3A_154 = arith.index_cast %scan3A_150 : i32 to index
          %get3A_155 = arith.index_cast %mul3A_92 : i32 to index
          %get3A_156 = tpu.vector_load %arg11[%get3A_154, %get3A_155] {strides = array<i32>} : memref<64x128xf32, #tpu.memory_space<vmem>>, vector<16xf32>,
          %gather3A_157 = tpu.vector_load_idx %arg6[%get3A_153] : memref<65536xf32, #tpu.memory_space<vmem>>[vector<16xi32>], vector<16xf32>,
          %mul3A_158 = arith.mulf %gather3A_157, %get3A_156 : vector<16xf32>
          %add3A_159 = arith.addf %add3A_148, %mul3A_158 : vector<16xf32>
          %scan3A_160 = arith.constant 5 : i32
          %scan3A_161 = arith.addi %scan3A_107, %scan3A_160 : i32
          %get3A_162 = arith.index_cast %scan3A_161 : i32 to index
          %get3A_163 = arith.index_cast %mul3A_92 : i32 to index
          %get3A_164 = tpu.vector_load %arg9[%get3A_162, %get3A_163] {strides = array<i32>} : memref<64x128xi32, #tpu.memory_space<vmem>>, vector<16xi32>,
          %get3A_165 = arith.index_cast %scan3A_161 : i32 to index
          %get3A_166 = arith.index_cast %mul3A_92 : i32 to index
          %get3A_167 = tpu.vector_load %arg11[%get3A_165, %get3A_166] {strides = array<i32>} : memref<64x128xf32, #tpu.memory_space<vmem>>, vector<16xf32>,
          %gather3A_168 = tpu.vector_load_idx %arg6[%get3A_164] : memref<65536xf32, #tpu.memory_space<vmem>>[vector<16xi32>], vector<16xf32>,
          %mul3A_169 = arith.mulf %gather3A_168, %get3A_167 : vector<16xf32>
          %add3A_170 = arith.addf %add3A_159, %mul3A_169 : vector<16xf32>
          %scan3A_171 = arith.constant 6 : i32
          %scan3A_172 = arith.addi %scan3A_107, %scan3A_171 : i32
          %get3A_173 = arith.index_cast %scan3A_172 : i32 to index
          %get3A_174 = arith.index_cast %mul3A_92 : i32 to index
          %get3A_175 = tpu.vector_load %arg9[%get3A_173, %get3A_174] {strides = array<i32>} : memref<64x128xi32, #tpu.memory_space<vmem>>, vector<16xi32>,
          %get3A_176 = arith.index_cast %scan3A_172 : i32 to index
          %get3A_177 = arith.index_cast %mul3A_92 : i32 to index
          %get3A_178 = tpu.vector_load %arg11[%get3A_176, %get3A_177] {strides = array<i32>} : memref<64x128xf32, #tpu.memory_space<vmem>>, vector<16xf32>,
          %gather3A_179 = tpu.vector_load_idx %arg6[%get3A_175] : memref<65536xf32, #tpu.memory_space<vmem>>[vector<16xi32>], vector<16xf32>,
          %mul3A_180 = arith.mulf %gather3A_179, %get3A_178 : vector<16xf32>
          %add3A_181 = arith.addf %add3A_170, %mul3A_180 : vector<16xf32>
          %scan3A_182 = arith.constant 7 : i32
          %scan3A_183 = arith.addi %scan3A_107, %scan3A_182 : i32
          %get3A_184 = arith.index_cast %scan3A_183 : i32 to index
          %get3A_185 = arith.index_cast %mul3A_92 : i32 to index
          %get3A_186 = tpu.vector_load %arg9[%get3A_184, %get3A_185] {strides = array<i32>} : memref<64x128xi32, #tpu.memory_space<vmem>>, vector<16xi32>,
          %get3A_187 = arith.index_cast %scan3A_183 : i32 to index
          %get3A_188 = arith.index_cast %mul3A_92 : i32 to index
          %get3A_189 = tpu.vector_load %arg11[%get3A_187, %get3A_188] {strides = array<i32>} : memref<64x128xf32, #tpu.memory_space<vmem>>, vector<16xf32>,
          %gather3A_190 = tpu.vector_load_idx %arg6[%get3A_186] : memref<65536xf32, #tpu.memory_space<vmem>>[vector<16xi32>], vector<16xf32>,
          %mul3A_191 = arith.mulf %gather3A_190, %get3A_189 : vector<16xf32>
          %add3A_192 = arith.addf %add3A_181, %mul3A_191 : vector<16xf32>
          scf.yield %add3A_192 : vector<16xf32>
        }
        %scan3A_99 = arith.constant 64 : i32
        %mul3A_100 = arith.constant 128 : i32
        %mul3A_101 = arith.muli %add3A_62, %mul3A_100 : i32
        %mul3A_102 = arith.constant 16 : i32
        %mul3A_103 = arith.muli %scan3A_89, %mul3A_102 : i32
        %add3A_104 = arith.addi %mul3A_101, %mul3A_103 : i32
        %swap3A = arith.index_cast %add3A_104 : i32 to index
        %swap3A_105 = tpu.vector_load %arg12[%swap3A] {strides = array<i32>} : memref<1024xf32, #tpu.memory_space<vmem>>, vector<16xf32>,
        tpu.vector_store %arg12[%swap3A], %scan3A_98 {strides = array<i32>} : memref<1024xf32, #tpu.memory_space<vmem>>, vector<16xf32>,
        %scan3A_106 = arith.constant 0 : i32
        scf.yield %scan3A_106 : i32
      }
      %scan3A_80 = arith.constant 8 : i32
      %add3A_81 = arith.constant 2 : i32
      %add3A_82 = arith.addi %add3A_62, %add3A_81 : i32
      %lt3A_83 = arith.constant 8 : i32
      %lt3A_84 = arith.cmpi slt, %add3A_82, %lt3A_83 : i32
      %convert_element_type3A_85 = arith.extui %lt3A_84 : i1 to i32
      %cond3A_86 = arith.constant 0 : i32
      %cond3A_87 = arith.cmpi ne, %convert_element_type3A_85, %cond3A_86 : i32
      scf.if %cond3A_87 {
        %add3A_89 = arith.constant 2 : i32
        %add3A_90 = arith.addi %add3A_62, %add3A_89 : i32
        %mul3A_91 = arith.constant 128 : i32
        %mul3A_92 = arith.muli %add3A_90, %mul3A_91 : i32
        %add3A_93 = arith.addi %mul3A_2, %mul3A_92 : i32
        %dma_start3A_94 = arith.constant 0 : i32
        %dma_start3A_95 = tpu.memref_slice %arg3[%dma_start3A_94, %add3A_93] : memref<64x32768xi32, #tpu.memory_space<hbm>> -> memref<64x128xi32, #tpu.memory_space<hbm>>
        %dma_start3A_96 = arith.constant 0 : i32
        %dma_start3A_97 = tpu.memref_slice %arg3[%dma_start3A_96, %add3A_93] : memref<64x32768xi32, #tpu.memory_space<hbm>> -> memref<64x128xi32, #tpu.memory_space<hbm>>
        tpu.enqueue_dma source(%dma_start3A_97 : memref<64x128xi32, #tpu.memory_space<hbm>>) target(%arg9 : memref<64x128xi32, #tpu.memory_space<vmem>>) target_semaphore(%arg14 : memref<!tpu.dma_semaphore, #tpu.memory_space<semaphore_mem>>)
        %dma_start3A_98 = arith.constant 0 : i32
        %dma_start3A_99 = tpu.memref_slice %arg4[%dma_start3A_98, %add3A_93] : memref<64x32768xf32, #tpu.memory_space<hbm>> -> memref<64x128xf32, #tpu.memory_space<hbm>>
        %dma_start3A_100 = arith.constant 0 : i32
        %dma_start3A_101 = tpu.memref_slice %arg4[%dma_start3A_100, %add3A_93] : memref<64x32768xf32, #tpu.memory_space<hbm>> -> memref<64x128xf32, #tpu.memory_space<hbm>>
        tpu.enqueue_dma source(%dma_start3A_101 : memref<64x128xf32, #tpu.memory_space<hbm>>) target(%arg11 : memref<64x128xf32, #tpu.memory_space<vmem>>) target_semaphore(%arg14 : memref<!tpu.dma_semaphore, #tpu.memory_space<semaphore_mem>>)
      } else {
      }
      %scan3A_88 = arith.constant 0 : i32
      scf.yield %scan3A_88 : i32
    }
    %scan3A_29 = arith.constant 4 : i32
    "tpu.region"() ({
      %run_scoped3A = tpu.sem_alloc : memref<!tpu.dma_semaphore, #tpu.memory_space<semaphore_mem>>
      %dma_start3A_30 = tpu.memref_slice %arg5[%mul3A_2] : memref<32768xf32, #tpu.memory_space<hbm>> -> memref<1024xf32, #tpu.memory_space<hbm>>
      %dma_start3A_31 = tpu.memref_slice %arg5[%mul3A_2] : memref<32768xf32, #tpu.memory_space<hbm>> -> memref<1024xf32, #tpu.memory_space<hbm>>
      tpu.enqueue_dma source(%arg12 : memref<1024xf32, #tpu.memory_space<vmem>>) target(%dma_start3A_31 : memref<1024xf32, #tpu.memory_space<hbm>>) target_semaphore(%run_scoped3A : memref<!tpu.dma_semaphore, #tpu.memory_space<semaphore_mem>>)
      %dma_wait3A = tpu.memref_slice %arg5[%mul3A_2] : memref<32768xf32, #tpu.memory_space<hbm>> -> memref<1024xf32, #tpu.memory_space<hbm>>
      %dma_wait3A_32 = tpu.memref_slice %arg5[%mul3A_2] : memref<32768xf32, #tpu.memory_space<hbm>> -> memref<1024xf32, #tpu.memory_space<hbm>>
      tpu.wait_dma2 semaphore(%run_scoped3A : memref<!tpu.dma_semaphore, #tpu.memory_space<semaphore_mem>>) src(%arg12 : memref<1024xf32, #tpu.memory_space<vmem>>) dst(%dma_wait3A_32 : memref<1024xf32, #tpu.memory_space<hbm>>)
      tpu.yield
    }) : () -> ()
    return
  }
}

#map = affine_map<(d0, d1) -> (0)>
#map1 = affine_map<(d0, d1) -> (0, 0)>
module attributes {stable_mosaic.version = 14 : i64} {
  func.func @_unflatten(%arg0: i32, %arg1: i32, %arg2: memref<32768xf32, #tpu.memory_space<hbm>>, %arg3: memref<16x2048xi32, #tpu.memory_space<hbm>>, %arg4: memref<16x2048xf32, #tpu.memory_space<hbm>>, %arg5: memref<16x2048xf32, #tpu.memory_space<hbm>>, %arg6: memref<1024xi32, #tpu.memory_space<vmem>>, %arg7: memref<1024xf32, #tpu.memory_space<vmem>>, %arg8: memref<1024xf32, #tpu.memory_space<vmem>>, %arg9: memref<1024xf32, #tpu.memory_space<vmem>>, %arg10: memref<!tpu.dma_semaphore, #tpu.memory_space<semaphore_mem>>) attributes {dimension_semantics = [#tpu.dimension_semantics<core_parallel>, #tpu.dimension_semantics<subcore_parallel>], iteration_bounds = array<i64: 2, 16>, scalar_prefetch = 0 : i64, scratch_operands = 5 : i64, tpu.core_type = #tpu.core_type<sc_vector_subcore>, window_params = [{transform_indices = #map}, {transform_indices = #map1}, {transform_indices = #map1}, {transform_indices = #map1}]} {
    %mul3A = arith.constant 2 : i32
    %mul3A_0 = arith.muli %arg1, %mul3A : i32
    %add3A = arith.addi %mul3A_0, %arg0 : i32
    %jit3A = arith.constant 2 : i32
    %div3A = arith.divsi %add3A, %jit3A : i32
    %sign3A = arith.constant 0 : i32
    %sign3A_1 = arith.cmpi sgt, %add3A, %sign3A : i32
    %sign3A_2 = arith.extui %sign3A_1 : i1 to i32
    %sign3A_3 = arith.constant 0 : i32
    %sign3A_4 = arith.cmpi slt, %add3A, %sign3A_3 : i32
    %sign3A_5 = arith.extui %sign3A_4 : i1 to i32
    %sign3A_6 = arith.subi %sign3A_2, %sign3A_5 : i32
    %sign3A_7 = arith.constant 0 : i32
    %sign3A_8 = arith.cmpi sgt, %jit3A, %sign3A_7 : i32
    %sign3A_9 = arith.extui %sign3A_8 : i1 to i32
    %sign3A_10 = arith.constant 0 : i32
    %sign3A_11 = arith.cmpi slt, %jit3A, %sign3A_10 : i32
    %sign3A_12 = arith.extui %sign3A_11 : i1 to i32
    %sign3A_13 = arith.subi %sign3A_9, %sign3A_12 : i32
    %ne3A = arith.cmpi ne, %sign3A_6, %sign3A_13 : i32
    %rem3A = arith.remsi %add3A, %jit3A : i32
    %ne3A_14 = arith.constant 0 : i32
    %ne3A_15 = arith.cmpi ne, %rem3A, %ne3A_14 : i32
    %and3A = arith.andi %ne3A, %ne3A_15 : i1
    %sub3A = arith.constant 1 : i32
    %sub3A_16 = arith.subi %div3A, %sub3A : i32
    %select_n3A = arith.select %and3A, %sub3A_16, %div3A : i32
    %jit3A_17 = arith.constant 2 : i32
    %eq3A = arith.constant 0 : i32
    %eq3A_18 = arith.cmpi eq, %jit3A_17, %eq3A : i32
    %jit3A_19 = arith.constant 1 : i32
    %select_n3A_20 = arith.select %eq3A_18, %jit3A_19, %jit3A_17 : i32
    %rem3A_21 = arith.remsi %add3A, %select_n3A_20 : i32
    %ne3A_22 = arith.constant 0 : i32
    %ne3A_23 = arith.cmpi ne, %rem3A_21, %ne3A_22 : i32
    %lt3A = arith.constant 0 : i32
    %lt3A_24 = arith.cmpi slt, %rem3A_21, %lt3A : i32
    %lt3A_25 = arith.constant 0 : i32
    %lt3A_26 = arith.cmpi slt, %select_n3A_20, %lt3A_25 : i32
    %ne3A_27 = arith.xori %lt3A_24, %lt3A_26 : i1
    %and3A_28 = arith.andi %ne3A_27, %ne3A_23 : i1
    %add3A_29 = arith.addi %rem3A_21, %select_n3A_20 : i32
    %select_n3A_30 = arith.select %and3A_28, %add3A_29, %rem3A_21 : i32
    %mul3A_31 = arith.constant 1024 : i32
    %mul3A_32 = arith.muli %select_n3A_30, %mul3A_31 : i32
    "tpu.region"() ({
      %run_scoped3A = tpu.sem_alloc : memref<!tpu.dma_semaphore, #tpu.memory_space<semaphore_mem>>
      %dma_start3A_133 = tpu.memref_slice %arg3[%select_n3A, %mul3A_32] : memref<16x2048xi32, #tpu.memory_space<hbm>> -> memref<1x1024xi32, #tpu.memory_space<hbm>>
      %dma_start3A_134 = tpu.memref_squeeze %dma_start3A_133 : memref<1x1024xi32, #tpu.memory_space<hbm>> -> memref<1024xi32, #tpu.memory_space<hbm>>
      %dma_start3A_135 = tpu.memref_slice %arg3[%select_n3A, %mul3A_32] : memref<16x2048xi32, #tpu.memory_space<hbm>> -> memref<1x1024xi32, #tpu.memory_space<hbm>>
      %dma_start3A_136 = tpu.memref_squeeze %dma_start3A_135 : memref<1x1024xi32, #tpu.memory_space<hbm>> -> memref<1024xi32, #tpu.memory_space<hbm>>
      tpu.enqueue_dma source(%dma_start3A_136 : memref<1024xi32, #tpu.memory_space<hbm>>) target(%arg6 : memref<1024xi32, #tpu.memory_space<vmem>>) target_semaphore(%run_scoped3A : memref<!tpu.dma_semaphore, #tpu.memory_space<semaphore_mem>>)
      %dma_wait3A_137 = tpu.memref_slice %arg3[%select_n3A, %mul3A_32] : memref<16x2048xi32, #tpu.memory_space<hbm>> -> memref<1x1024xi32, #tpu.memory_space<hbm>>
      %dma_wait3A_138 = tpu.memref_squeeze %dma_wait3A_137 : memref<1x1024xi32, #tpu.memory_space<hbm>> -> memref<1024xi32, #tpu.memory_space<hbm>>
      %dma_wait3A_139 = tpu.memref_slice %arg3[%select_n3A, %mul3A_32] : memref<16x2048xi32, #tpu.memory_space<hbm>> -> memref<1x1024xi32, #tpu.memory_space<hbm>>
      %dma_wait3A_140 = tpu.memref_squeeze %dma_wait3A_139 : memref<1x1024xi32, #tpu.memory_space<hbm>> -> memref<1024xi32, #tpu.memory_space<hbm>>
      tpu.wait_dma2 semaphore(%run_scoped3A : memref<!tpu.dma_semaphore, #tpu.memory_space<semaphore_mem>>) src(%dma_wait3A_140 : memref<1024xi32, #tpu.memory_space<hbm>>) dst(%arg6 : memref<1024xi32, #tpu.memory_space<vmem>>)
      tpu.yield
    }) : () -> ()
    "tpu.region"() ({
      %run_scoped3A = tpu.sem_alloc : memref<!tpu.dma_semaphore, #tpu.memory_space<semaphore_mem>>
      %dma_start3A_133 = tpu.memref_slice %arg4[%select_n3A, %mul3A_32] : memref<16x2048xf32, #tpu.memory_space<hbm>> -> memref<1x1024xf32, #tpu.memory_space<hbm>>
      %dma_start3A_134 = tpu.memref_squeeze %dma_start3A_133 : memref<1x1024xf32, #tpu.memory_space<hbm>> -> memref<1024xf32, #tpu.memory_space<hbm>>
      %dma_start3A_135 = tpu.memref_slice %arg4[%select_n3A, %mul3A_32] : memref<16x2048xf32, #tpu.memory_space<hbm>> -> memref<1x1024xf32, #tpu.memory_space<hbm>>
      %dma_start3A_136 = tpu.memref_squeeze %dma_start3A_135 : memref<1x1024xf32, #tpu.memory_space<hbm>> -> memref<1024xf32, #tpu.memory_space<hbm>>
      tpu.enqueue_dma source(%dma_start3A_136 : memref<1024xf32, #tpu.memory_space<hbm>>) target(%arg8 : memref<1024xf32, #tpu.memory_space<vmem>>) target_semaphore(%run_scoped3A : memref<!tpu.dma_semaphore, #tpu.memory_space<semaphore_mem>>)
      %dma_wait3A_137 = tpu.memref_slice %arg4[%select_n3A, %mul3A_32] : memref<16x2048xf32, #tpu.memory_space<hbm>> -> memref<1x1024xf32, #tpu.memory_space<hbm>>
      %dma_wait3A_138 = tpu.memref_squeeze %dma_wait3A_137 : memref<1x1024xf32, #tpu.memory_space<hbm>> -> memref<1024xf32, #tpu.memory_space<hbm>>
      %dma_wait3A_139 = tpu.memref_slice %arg4[%select_n3A, %mul3A_32] : memref<16x2048xf32, #tpu.memory_space<hbm>> -> memref<1x1024xf32, #tpu.memory_space<hbm>>
      %dma_wait3A_140 = tpu.memref_squeeze %dma_wait3A_139 : memref<1x1024xf32, #tpu.memory_space<hbm>> -> memref<1024xf32, #tpu.memory_space<hbm>>
      tpu.wait_dma2 semaphore(%run_scoped3A : memref<!tpu.dma_semaphore, #tpu.memory_space<semaphore_mem>>) src(%dma_wait3A_140 : memref<1024xf32, #tpu.memory_space<hbm>>) dst(%arg8 : memref<1024xf32, #tpu.memory_space<vmem>>)
      tpu.yield
    }) : () -> ()
    %dma_start3A = arith.constant 0 : i32
    %dma_start3A_33 = tpu.memref_slice %arg7[%dma_start3A] : memref<1024xf32, #tpu.memory_space<vmem>> -> memref<128xf32, #tpu.memory_space<vmem>>
    %dma_start3A_34 = arith.constant 0 : i32
    %dma_start3A_35 = tpu.memref_slice %arg6[%dma_start3A_34] : memref<1024xi32, #tpu.memory_space<vmem>> -> memref<128xi32, #tpu.memory_space<vmem>>
    %dma_start3A_36 = arith.constant 0 : i32
    %dma_start3A_37 = tpu.memref_slice %arg2[%dma_start3A_36] : memref<32768xf32, #tpu.memory_space<hbm>> -> memref<32768xf32, #tpu.memory_space<hbm>>
    tpu.enqueue_indirect_dma source(%dma_start3A_37 : memref<32768xf32, #tpu.memory_space<hbm>>) target(%dma_start3A_33 : memref<128xf32, #tpu.memory_space<vmem>>) offsets(%dma_start3A_35 : memref<128xi32, #tpu.memory_space<vmem>>) semaphore(%arg10 : memref<!tpu.dma_semaphore, #tpu.memory_space<semaphore_mem>>)
    %dma_start3A_38 = arith.constant 128 : i32
    %dma_start3A_39 = tpu.memref_slice %arg7[%dma_start3A_38] : memref<1024xf32, #tpu.memory_space<vmem>> -> memref<128xf32, #tpu.memory_space<vmem>>
    %dma_start3A_40 = arith.constant 128 : i32
    %dma_start3A_41 = tpu.memref_slice %arg6[%dma_start3A_40] : memref<1024xi32, #tpu.memory_space<vmem>> -> memref<128xi32, #tpu.memory_space<vmem>>
    %dma_start3A_42 = arith.constant 0 : i32
    %dma_start3A_43 = tpu.memref_slice %arg2[%dma_start3A_42] : memref<32768xf32, #tpu.memory_space<hbm>> -> memref<32768xf32, #tpu.memory_space<hbm>>
    tpu.enqueue_indirect_dma source(%dma_start3A_43 : memref<32768xf32, #tpu.memory_space<hbm>>) target(%dma_start3A_39 : memref<128xf32, #tpu.memory_space<vmem>>) offsets(%dma_start3A_41 : memref<128xi32, #tpu.memory_space<vmem>>) semaphore(%arg10 : memref<!tpu.dma_semaphore, #tpu.memory_space<semaphore_mem>>)
    %dma_start3A_44 = arith.constant 256 : i32
    %dma_start3A_45 = tpu.memref_slice %arg7[%dma_start3A_44] : memref<1024xf32, #tpu.memory_space<vmem>> -> memref<128xf32, #tpu.memory_space<vmem>>
    %dma_start3A_46 = arith.constant 256 : i32
    %dma_start3A_47 = tpu.memref_slice %arg6[%dma_start3A_46] : memref<1024xi32, #tpu.memory_space<vmem>> -> memref<128xi32, #tpu.memory_space<vmem>>
    %dma_start3A_48 = arith.constant 0 : i32
    %dma_start3A_49 = tpu.memref_slice %arg2[%dma_start3A_48] : memref<32768xf32, #tpu.memory_space<hbm>> -> memref<32768xf32, #tpu.memory_space<hbm>>
    tpu.enqueue_indirect_dma source(%dma_start3A_49 : memref<32768xf32, #tpu.memory_space<hbm>>) target(%dma_start3A_45 : memref<128xf32, #tpu.memory_space<vmem>>) offsets(%dma_start3A_47 : memref<128xi32, #tpu.memory_space<vmem>>) semaphore(%arg10 : memref<!tpu.dma_semaphore, #tpu.memory_space<semaphore_mem>>)
    %dma_start3A_50 = arith.constant 384 : i32
    %dma_start3A_51 = tpu.memref_slice %arg7[%dma_start3A_50] : memref<1024xf32, #tpu.memory_space<vmem>> -> memref<128xf32, #tpu.memory_space<vmem>>
    %dma_start3A_52 = arith.constant 384 : i32
    %dma_start3A_53 = tpu.memref_slice %arg6[%dma_start3A_52] : memref<1024xi32, #tpu.memory_space<vmem>> -> memref<128xi32, #tpu.memory_space<vmem>>
    %dma_start3A_54 = arith.constant 0 : i32
    %dma_start3A_55 = tpu.memref_slice %arg2[%dma_start3A_54] : memref<32768xf32, #tpu.memory_space<hbm>> -> memref<32768xf32, #tpu.memory_space<hbm>>
    tpu.enqueue_indirect_dma source(%dma_start3A_55 : memref<32768xf32, #tpu.memory_space<hbm>>) target(%dma_start3A_51 : memref<128xf32, #tpu.memory_space<vmem>>) offsets(%dma_start3A_53 : memref<128xi32, #tpu.memory_space<vmem>>) semaphore(%arg10 : memref<!tpu.dma_semaphore, #tpu.memory_space<semaphore_mem>>)
    %dma_start3A_56 = arith.constant 512 : i32
    %dma_start3A_57 = tpu.memref_slice %arg7[%dma_start3A_56] : memref<1024xf32, #tpu.memory_space<vmem>> -> memref<128xf32, #tpu.memory_space<vmem>>
    %dma_start3A_58 = arith.constant 512 : i32
    %dma_start3A_59 = tpu.memref_slice %arg6[%dma_start3A_58] : memref<1024xi32, #tpu.memory_space<vmem>> -> memref<128xi32, #tpu.memory_space<vmem>>
    %dma_start3A_60 = arith.constant 0 : i32
    %dma_start3A_61 = tpu.memref_slice %arg2[%dma_start3A_60] : memref<32768xf32, #tpu.memory_space<hbm>> -> memref<32768xf32, #tpu.memory_space<hbm>>
    tpu.enqueue_indirect_dma source(%dma_start3A_61 : memref<32768xf32, #tpu.memory_space<hbm>>) target(%dma_start3A_57 : memref<128xf32, #tpu.memory_space<vmem>>) offsets(%dma_start3A_59 : memref<128xi32, #tpu.memory_space<vmem>>) semaphore(%arg10 : memref<!tpu.dma_semaphore, #tpu.memory_space<semaphore_mem>>)
    %dma_start3A_62 = arith.constant 640 : i32
    %dma_start3A_63 = tpu.memref_slice %arg7[%dma_start3A_62] : memref<1024xf32, #tpu.memory_space<vmem>> -> memref<128xf32, #tpu.memory_space<vmem>>
    %dma_start3A_64 = arith.constant 640 : i32
    %dma_start3A_65 = tpu.memref_slice %arg6[%dma_start3A_64] : memref<1024xi32, #tpu.memory_space<vmem>> -> memref<128xi32, #tpu.memory_space<vmem>>
    %dma_start3A_66 = arith.constant 0 : i32
    %dma_start3A_67 = tpu.memref_slice %arg2[%dma_start3A_66] : memref<32768xf32, #tpu.memory_space<hbm>> -> memref<32768xf32, #tpu.memory_space<hbm>>
    tpu.enqueue_indirect_dma source(%dma_start3A_67 : memref<32768xf32, #tpu.memory_space<hbm>>) target(%dma_start3A_63 : memref<128xf32, #tpu.memory_space<vmem>>) offsets(%dma_start3A_65 : memref<128xi32, #tpu.memory_space<vmem>>) semaphore(%arg10 : memref<!tpu.dma_semaphore, #tpu.memory_space<semaphore_mem>>)
    %dma_start3A_68 = arith.constant 768 : i32
    %dma_start3A_69 = tpu.memref_slice %arg7[%dma_start3A_68] : memref<1024xf32, #tpu.memory_space<vmem>> -> memref<128xf32, #tpu.memory_space<vmem>>
    %dma_start3A_70 = arith.constant 768 : i32
    %dma_start3A_71 = tpu.memref_slice %arg6[%dma_start3A_70] : memref<1024xi32, #tpu.memory_space<vmem>> -> memref<128xi32, #tpu.memory_space<vmem>>
    %dma_start3A_72 = arith.constant 0 : i32
    %dma_start3A_73 = tpu.memref_slice %arg2[%dma_start3A_72] : memref<32768xf32, #tpu.memory_space<hbm>> -> memref<32768xf32, #tpu.memory_space<hbm>>
    tpu.enqueue_indirect_dma source(%dma_start3A_73 : memref<32768xf32, #tpu.memory_space<hbm>>) target(%dma_start3A_69 : memref<128xf32, #tpu.memory_space<vmem>>) offsets(%dma_start3A_71 : memref<128xi32, #tpu.memory_space<vmem>>) semaphore(%arg10 : memref<!tpu.dma_semaphore, #tpu.memory_space<semaphore_mem>>)
    %dma_start3A_74 = arith.constant 896 : i32
    %dma_start3A_75 = tpu.memref_slice %arg7[%dma_start3A_74] : memref<1024xf32, #tpu.memory_space<vmem>> -> memref<128xf32, #tpu.memory_space<vmem>>
    %dma_start3A_76 = arith.constant 896 : i32
    %dma_start3A_77 = tpu.memref_slice %arg6[%dma_start3A_76] : memref<1024xi32, #tpu.memory_space<vmem>> -> memref<128xi32, #tpu.memory_space<vmem>>
    %dma_start3A_78 = arith.constant 0 : i32
    %dma_start3A_79 = tpu.memref_slice %arg2[%dma_start3A_78] : memref<32768xf32, #tpu.memory_space<hbm>> -> memref<32768xf32, #tpu.memory_space<hbm>>
    tpu.enqueue_indirect_dma source(%dma_start3A_79 : memref<32768xf32, #tpu.memory_space<hbm>>) target(%dma_start3A_75 : memref<128xf32, #tpu.memory_space<vmem>>) offsets(%dma_start3A_77 : memref<128xi32, #tpu.memory_space<vmem>>) semaphore(%arg10 : memref<!tpu.dma_semaphore, #tpu.memory_space<semaphore_mem>>)
    %dma_wait3A = arith.constant 0 : i32
    %dma_wait3A_80 = tpu.memref_slice %arg7[%dma_wait3A] : memref<1024xf32, #tpu.memory_space<vmem>> -> memref<128xf32, #tpu.memory_space<vmem>>
    %dma_wait3A_81 = arith.constant 0 : i32
    %dma_wait3A_82 = tpu.memref_slice %arg6[%dma_wait3A_81] : memref<1024xi32, #tpu.memory_space<vmem>> -> memref<128xi32, #tpu.memory_space<vmem>>
    %dma_wait3A_83 = arith.constant 0 : i32
    %dma_wait3A_84 = tpu.memref_slice %arg2[%dma_wait3A_83] : memref<32768xf32, #tpu.memory_space<hbm>> -> memref<32768xf32, #tpu.memory_space<hbm>>
    tpu.wait_indirect_dma semaphore(%arg10 : memref<!tpu.dma_semaphore, #tpu.memory_space<semaphore_mem>>) src(%dma_wait3A_84 : memref<32768xf32, #tpu.memory_space<hbm>>) dst(%dma_wait3A_80 : memref<128xf32, #tpu.memory_space<vmem>>)
    %dma_wait3A_85 = arith.constant 128 : i32
    %dma_wait3A_86 = tpu.memref_slice %arg7[%dma_wait3A_85] : memref<1024xf32, #tpu.memory_space<vmem>> -> memref<128xf32, #tpu.memory_space<vmem>>
    %dma_wait3A_87 = arith.constant 128 : i32
    %dma_wait3A_88 = tpu.memref_slice %arg6[%dma_wait3A_87] : memref<1024xi32, #tpu.memory_space<vmem>> -> memref<128xi32, #tpu.memory_space<vmem>>
    %dma_wait3A_89 = arith.constant 0 : i32
    %dma_wait3A_90 = tpu.memref_slice %arg2[%dma_wait3A_89] : memref<32768xf32, #tpu.memory_space<hbm>> -> memref<32768xf32, #tpu.memory_space<hbm>>
    tpu.wait_indirect_dma semaphore(%arg10 : memref<!tpu.dma_semaphore, #tpu.memory_space<semaphore_mem>>) src(%dma_wait3A_90 : memref<32768xf32, #tpu.memory_space<hbm>>) dst(%dma_wait3A_86 : memref<128xf32, #tpu.memory_space<vmem>>)
    %dma_wait3A_91 = arith.constant 256 : i32
    %dma_wait3A_92 = tpu.memref_slice %arg7[%dma_wait3A_91] : memref<1024xf32, #tpu.memory_space<vmem>> -> memref<128xf32, #tpu.memory_space<vmem>>
    %dma_wait3A_93 = arith.constant 256 : i32
    %dma_wait3A_94 = tpu.memref_slice %arg6[%dma_wait3A_93] : memref<1024xi32, #tpu.memory_space<vmem>> -> memref<128xi32, #tpu.memory_space<vmem>>
    %dma_wait3A_95 = arith.constant 0 : i32
    %dma_wait3A_96 = tpu.memref_slice %arg2[%dma_wait3A_95] : memref<32768xf32, #tpu.memory_space<hbm>> -> memref<32768xf32, #tpu.memory_space<hbm>>
    tpu.wait_indirect_dma semaphore(%arg10 : memref<!tpu.dma_semaphore, #tpu.memory_space<semaphore_mem>>) src(%dma_wait3A_96 : memref<32768xf32, #tpu.memory_space<hbm>>) dst(%dma_wait3A_92 : memref<128xf32, #tpu.memory_space<vmem>>)
    %dma_wait3A_97 = arith.constant 384 : i32
    %dma_wait3A_98 = tpu.memref_slice %arg7[%dma_wait3A_97] : memref<1024xf32, #tpu.memory_space<vmem>> -> memref<128xf32, #tpu.memory_space<vmem>>
    %dma_wait3A_99 = arith.constant 384 : i32
    %dma_wait3A_100 = tpu.memref_slice %arg6[%dma_wait3A_99] : memref<1024xi32, #tpu.memory_space<vmem>> -> memref<128xi32, #tpu.memory_space<vmem>>
    %dma_wait3A_101 = arith.constant 0 : i32
    %dma_wait3A_102 = tpu.memref_slice %arg2[%dma_wait3A_101] : memref<32768xf32, #tpu.memory_space<hbm>> -> memref<32768xf32, #tpu.memory_space<hbm>>
    tpu.wait_indirect_dma semaphore(%arg10 : memref<!tpu.dma_semaphore, #tpu.memory_space<semaphore_mem>>) src(%dma_wait3A_102 : memref<32768xf32, #tpu.memory_space<hbm>>) dst(%dma_wait3A_98 : memref<128xf32, #tpu.memory_space<vmem>>)
    %dma_wait3A_103 = arith.constant 512 : i32
    %dma_wait3A_104 = tpu.memref_slice %arg7[%dma_wait3A_103] : memref<1024xf32, #tpu.memory_space<vmem>> -> memref<128xf32, #tpu.memory_space<vmem>>
    %dma_wait3A_105 = arith.constant 512 : i32
    %dma_wait3A_106 = tpu.memref_slice %arg6[%dma_wait3A_105] : memref<1024xi32, #tpu.memory_space<vmem>> -> memref<128xi32, #tpu.memory_space<vmem>>
    %dma_wait3A_107 = arith.constant 0 : i32
    %dma_wait3A_108 = tpu.memref_slice %arg2[%dma_wait3A_107] : memref<32768xf32, #tpu.memory_space<hbm>> -> memref<32768xf32, #tpu.memory_space<hbm>>
    tpu.wait_indirect_dma semaphore(%arg10 : memref<!tpu.dma_semaphore, #tpu.memory_space<semaphore_mem>>) src(%dma_wait3A_108 : memref<32768xf32, #tpu.memory_space<hbm>>) dst(%dma_wait3A_104 : memref<128xf32, #tpu.memory_space<vmem>>)
    %dma_wait3A_109 = arith.constant 640 : i32
    %dma_wait3A_110 = tpu.memref_slice %arg7[%dma_wait3A_109] : memref<1024xf32, #tpu.memory_space<vmem>> -> memref<128xf32, #tpu.memory_space<vmem>>
    %dma_wait3A_111 = arith.constant 640 : i32
    %dma_wait3A_112 = tpu.memref_slice %arg6[%dma_wait3A_111] : memref<1024xi32, #tpu.memory_space<vmem>> -> memref<128xi32, #tpu.memory_space<vmem>>
    %dma_wait3A_113 = arith.constant 0 : i32
    %dma_wait3A_114 = tpu.memref_slice %arg2[%dma_wait3A_113] : memref<32768xf32, #tpu.memory_space<hbm>> -> memref<32768xf32, #tpu.memory_space<hbm>>
    tpu.wait_indirect_dma semaphore(%arg10 : memref<!tpu.dma_semaphore, #tpu.memory_space<semaphore_mem>>) src(%dma_wait3A_114 : memref<32768xf32, #tpu.memory_space<hbm>>) dst(%dma_wait3A_110 : memref<128xf32, #tpu.memory_space<vmem>>)
    %dma_wait3A_115 = arith.constant 768 : i32
    %dma_wait3A_116 = tpu.memref_slice %arg7[%dma_wait3A_115] : memref<1024xf32, #tpu.memory_space<vmem>> -> memref<128xf32, #tpu.memory_space<vmem>>
    %dma_wait3A_117 = arith.constant 768 : i32
    %dma_wait3A_118 = tpu.memref_slice %arg6[%dma_wait3A_117] : memref<1024xi32, #tpu.memory_space<vmem>> -> memref<128xi32, #tpu.memory_space<vmem>>
    %dma_wait3A_119 = arith.constant 0 : i32
    %dma_wait3A_120 = tpu.memref_slice %arg2[%dma_wait3A_119] : memref<32768xf32, #tpu.memory_space<hbm>> -> memref<32768xf32, #tpu.memory_space<hbm>>
    tpu.wait_indirect_dma semaphore(%arg10 : memref<!tpu.dma_semaphore, #tpu.memory_space<semaphore_mem>>) src(%dma_wait3A_120 : memref<32768xf32, #tpu.memory_space<hbm>>) dst(%dma_wait3A_116 : memref<128xf32, #tpu.memory_space<vmem>>)
    %dma_wait3A_121 = arith.constant 896 : i32
    %dma_wait3A_122 = tpu.memref_slice %arg7[%dma_wait3A_121] : memref<1024xf32, #tpu.memory_space<vmem>> -> memref<128xf32, #tpu.memory_space<vmem>>
    %dma_wait3A_123 = arith.constant 896 : i32
    %dma_wait3A_124 = tpu.memref_slice %arg6[%dma_wait3A_123] : memref<1024xi32, #tpu.memory_space<vmem>> -> memref<128xi32, #tpu.memory_space<vmem>>
    %dma_wait3A_125 = arith.constant 0 : i32
    %dma_wait3A_126 = tpu.memref_slice %arg2[%dma_wait3A_125] : memref<32768xf32, #tpu.memory_space<hbm>> -> memref<32768xf32, #tpu.memory_space<hbm>>
    tpu.wait_indirect_dma semaphore(%arg10 : memref<!tpu.dma_semaphore, #tpu.memory_space<semaphore_mem>>) src(%dma_wait3A_126 : memref<32768xf32, #tpu.memory_space<hbm>>) dst(%dma_wait3A_122 : memref<128xf32, #tpu.memory_space<vmem>>)
    %scan3A = arith.constant 0 : i32
    %scan3A_127 = arith.constant 0 : i32
    %scan3A_128 = arith.constant 64 : i32
    %scan3A_129 = arith.addi %scan3A_127, %scan3A_128 : i32
    %scan3A_130 = arith.constant 1 : i32
    %scan3A_131 = scf.for %scan3A_133 = %scan3A_127 to %scan3A_129 step %scan3A_130 iter_args(%scan3A_134 = %scan3A) -> (i32)  : i32 {
      %mul3A_135 = arith.constant 16 : i32
      %mul3A_136 = arith.muli %scan3A_133, %mul3A_135 : i32
      %get3A = arith.index_cast %mul3A_136 : i32 to index
      %get3A_137 = tpu.vector_load %arg7[%get3A] {strides = array<i32>} : memref<1024xf32, #tpu.memory_space<vmem>>, vector<16xf32>,
      %get3A_138 = arith.index_cast %mul3A_136 : i32 to index
      %get3A_139 = tpu.vector_load %arg8[%get3A_138] {strides = array<i32>} : memref<1024xf32, #tpu.memory_space<vmem>>, vector<16xf32>,
      %mul3A_140 = arith.mulf %get3A_137, %get3A_139 : vector<16xf32>
      %swap3A = arith.index_cast %mul3A_136 : i32 to index
      %swap3A_141 = tpu.vector_load %arg9[%swap3A] {strides = array<i32>} : memref<1024xf32, #tpu.memory_space<vmem>>, vector<16xf32>,
      tpu.vector_store %arg9[%swap3A], %mul3A_140 {strides = array<i32>} : memref<1024xf32, #tpu.memory_space<vmem>>, vector<16xf32>,
      %scan3A_142 = arith.constant 0 : i32
      scf.yield %scan3A_142 : i32
    }
    %scan3A_132 = arith.constant 64 : i32
    "tpu.region"() ({
      %run_scoped3A = tpu.sem_alloc : memref<!tpu.dma_semaphore, #tpu.memory_space<semaphore_mem>>
      %dma_start3A_133 = tpu.memref_slice %arg5[%select_n3A, %mul3A_32] : memref<16x2048xf32, #tpu.memory_space<hbm>> -> memref<1x1024xf32, #tpu.memory_space<hbm>>
      %dma_start3A_134 = tpu.memref_squeeze %dma_start3A_133 : memref<1x1024xf32, #tpu.memory_space<hbm>> -> memref<1024xf32, #tpu.memory_space<hbm>>
      %dma_start3A_135 = tpu.memref_slice %arg5[%select_n3A, %mul3A_32] : memref<16x2048xf32, #tpu.memory_space<hbm>> -> memref<1x1024xf32, #tpu.memory_space<hbm>>
      %dma_start3A_136 = tpu.memref_squeeze %dma_start3A_135 : memref<1x1024xf32, #tpu.memory_space<hbm>> -> memref<1024xf32, #tpu.memory_space<hbm>>
      tpu.enqueue_dma source(%arg9 : memref<1024xf32, #tpu.memory_space<vmem>>) target(%dma_start3A_136 : memref<1024xf32, #tpu.memory_space<hbm>>) target_semaphore(%run_scoped3A : memref<!tpu.dma_semaphore, #tpu.memory_space<semaphore_mem>>)
      %dma_wait3A_137 = tpu.memref_slice %arg5[%select_n3A, %mul3A_32] : memref<16x2048xf32, #tpu.memory_space<hbm>> -> memref<1x1024xf32, #tpu.memory_space<hbm>>
      %dma_wait3A_138 = tpu.memref_squeeze %dma_wait3A_137 : memref<1x1024xf32, #tpu.memory_space<hbm>> -> memref<1024xf32, #tpu.memory_space<hbm>>
      %dma_wait3A_139 = tpu.memref_slice %arg5[%select_n3A, %mul3A_32] : memref<16x2048xf32, #tpu.memory_space<hbm>> -> memref<1x1024xf32, #tpu.memory_space<hbm>>
      %dma_wait3A_140 = tpu.memref_squeeze %dma_wait3A_139 : memref<1x1024xf32, #tpu.memory_space<hbm>> -> memref<1024xf32, #tpu.memory_space<hbm>>
      tpu.wait_dma2 semaphore(%run_scoped3A : memref<!tpu.dma_semaphore, #tpu.memory_space<semaphore_mem>>) src(%arg9 : memref<1024xf32, #tpu.memory_space<vmem>>) dst(%dma_wait3A_140 : memref<1024xf32, #tpu.memory_space<hbm>>)
      tpu.yield
    }) : () -> ()
    return
  }
}

</mosaic_0001>

<sc_bundles>
// kernel: kernel.4.cloned.1.call-start
scs
__scs_entry_jumppad:
0x0: {  	(pc) =	sbr.rel $0x88, $3  }
0x1: {  	(tag) =	ssettag $0x0;
	lr =	simm.s32 $0x1  }
0x2: {  	[smem:$0x3F9C] =	sst lr;
	_ =	strace $0xD0000000  }
0x3: {  	_ = 	snop  }
0x4: {  	_ = 	snop  }
0x5: {  	_ = 	snop  }
0x6: {  	_ = 	snop  }
0x7: {  	_ = 	snop  }
__scs_overlays_trampoline_lowered:
0x8: {  	[smem:$0x3FAB] =	sst s0  }
0x9: {  	[smem:$0x3FAC] =	sst s1  }
0xa: {  	[smem:$0x3FAD] =	sst s2  }
0xb: {  	[smem:$0x3FAE] =	sst s3  }
0xc: {  	[smem:$0x3FAF] =	sst s4  }
0xd: {  	[smem:$0x3FB0] =	sst s5  }
0xe: {  	[smem:$0x3FB1] =	sst s6  }
0xf: {  	[smem:$0x3FB2] =	sst s7  }
0x10: {  	[smem:$0x3FB3] =	sst s8  }
0x11: {  	[smem:$0x3FB4] =	sst s9;
	s0 =	simm.s32 @!p0 $0x0  }
0x12: {  	s1 =	sld [smem:$0x3F9A];
	s0 =	simm.s32 @p0 $0x1  }
0x13: {  	[smem:$0x3FB5] =	sst s0;
	s0 =	simm.s32 @!p1 $0x0  }
0x14: {  	s2 =	sld [smem:$0x3F99];
	s0 =	simm.s32 @p1 $0x1  }
0x15: {  	[smem:$0x3FB6] =	sst s0;
	s0 =	simm.s32 @!p2 $0x0  }
0x16: {  	s3 =	sld [smem:$0x3FDB];
	s0 =	simm.s32 @p2 $0x1  }
0x17: {  	s4 =	simm.s32 $0x1BF5;
	[smem:$0x3FB8] =	sst s0  }
0x18: {  	s0 =	sld [smem:$0x3F9B];
	_ =	swait.ge [sflag:s4], $0x0  }
0x19: {  	s7 =	sld [smem:$0x3F9C]  }
0x1a: {  	s8 =	sadd.s32 $0xFFFFE003, lr  }
0x1b: {  	s9 =	sadd.s32 $0xFFFFFEF7, lr;
	s5 =	simm.s32 $0xFFFFFFFF;
	p2 =	slt.u32 s8, $0xFFFFF086  }
0x1c: {  	p1 =	slt.u32 s9, $0xF7A;
	s5 =	simm.s32 @!p2 $0x0  }
0x1d: {  	s5 =	simm.s32 @p1 $0x1;
	p0 =	seq.s32 s7, s2  }
0x1e: {  	s7 =	smul.u32 @!p0 $0xF7A, s2;
	p2 =	seq.s32 @!p0 s5, $0x0  }
0x1f: {  	s9 =	smul.u32 $0xF7A, s1;
	s8 =	simm.s32 @!p0 $0x1BF5;
	p2 =	por !p2, p0  }
0x20: {  	[sflag:s8] =	ssyncset.s32 @!p0 $0xFFFFF086;
	s6 =	sadd.s32 @!p0 s3, s7;
	s7 =	simm.s32 @!p0 $0x108  }
0x21: {  	s3 =	sadd.s32 s3, s9;
	s6 =	sadd.s32 @!p0 $0x88, s6;
	s7 =	simm.s32 @p2 $0x1082  }
0x22: {  	[simem:s7], [sflag:s8] =	dma.local @!p0 [hbm:s6], $0xF7A  }
0x23: {  	s9 =	sor.u32 $0xD0000000, s2;
	s6 =	simm.s32 $0x108;
	_ =	swait.ge @!p0 [sflag:s8], $0x0  }
0x24: {  	s3 =	sadd.s32 $0x88, s3;
	s6 =	simm.s32 @!p1 $0x1082;
	[sflag:s4] =	ssyncset.s32 $0xFFFFF086  }
0x25: {  	[simem:s6], [sflag:s4] =	dma.local [hbm:s3], $0xF7A  }
0x26: {  	[smem:$0x3F9C] =	sst s1;
	(tag) =	ssettag s2;
	_ =	strace s9  }
0x27: {  	s1 =	sld [smem:$0x3FAC]  }
0x28: {  	s2 =	sld [smem:$0x3FAD]  }
0x29: {  	s4 =	sld [smem:$0x3FAF]  }
0x2a: {  	p0 =	seq.s32 s5, $0x0;
	s5 =	sld [smem:$0x3FB0]  }
0x2b: {  	s6 =	sld [smem:$0x3FB1]  }
0x2c: {  	s7 =	sld [smem:$0x3FB2]  }
0x2d: {  	s3 =	simm.s32 $0x108;
	s8 =	sld [smem:$0x3FB3]  }
0x2e: {  	s3 =	simm.s32 @!p0 $0x1082;
	s9 =	sld [smem:$0x3FB4]  }
0x2f: {  	lr =	sadd.s32 s0, s3;
	s0 =	sld [smem:$0x3FAB]  }
0x30: {  	s3 =	sld [smem:$0x3FAE]  }
0x31: {  	[smem:$0x3FB7] =	sst s10  }
0x32: {  	s10 =	sld [smem:$0x3FB5];
	_ =	sdelay $0x3  }
0x33: {  	p0 =	seq.s32 s10, $0x1;
	s10 =	sld [smem:$0x3FB7];
	_ =	sdelay $0x3  }
0x34: {  	[smem:$0x3FB7] =	sst s10  }
0x35: {  	s10 =	sld [smem:$0x3FB6];
	_ =	sdelay $0x3  }
0x36: {  	p1 =	seq.s32 s10, $0x1;
	s10 =	sld [smem:$0x3FB7];
	_ =	sdelay $0x3  }
0x37: {  	[smem:$0x3FB7] =	sst s10  }
0x38: {  	s10 =	sld [smem:$0x3FB8]  }
0x39: {  	_ = 	snop;
	(pc) =	sbr.ind lr, $3  }
0x3a: {  	_ = 	snop  }
0x3b: {  	_ = 	snop  }
0x3c: {  	p2 =	seq.s32 s10, $0x1;
	s10 =	sld [smem:$0x3FB7]  }
0x3d: {  	_ =	shalt  }
0x3e: {  	_ =	shalt  }
0x3f: {  	_ =	shalt  }
0x40: {  	_ =	shalt  }
0x41: {  	_ =	shalt  }
0x42: {  	_ =	shalt  }
0x43: {  	_ =	shalt  }
0x44: {  	_ =	shalt  }
0x45: {  	_ =	shalt  }
0x46: {  	_ =	shalt  }
0x47: {  	_ =	shalt  }
0x48: {  	_ =	shalt  }
0x49: {  	_ =	shalt  }
0x4a: {  	_ =	shalt  }
0x4b: {  	_ =	shalt  }
0x4c: {  	_ =	shalt  }
0x4d: {  	_ =	shalt  }
0x4e: {  	_ =	shalt  }
0x4f: {  	_ =	shalt  }
0x50: {  	_ =	shalt  }
0x51: {  	_ =	shalt  }
0x52: {  	_ =	shalt  }
0x53: {  	_ =	shalt  }
0x54: {  	_ =	shalt  }
0x55: {  	_ =	shalt  }
0x56: {  	_ =	shalt  }
0x57: {  	_ =	shalt  }
0x58: {  	_ =	shalt  }
0x59: {  	_ =	shalt  }
0x5a: {  	_ =	shalt  }
0x5b: {  	_ =	shalt  }
0x5c: {  	_ =	shalt  }
0x5d: {  	_ =	shalt  }
0x5e: {  	_ =	shalt  }
0x5f: {  	_ =	shalt  }
0x60: {  	_ =	shalt  }
0x61: {  	_ =	shalt  }
0x62: {  	_ =	shalt  }
0x63: {  	_ =	shalt  }
0x64: {  	_ =	shalt  }
0x65: {  	_ =	shalt  }
0x66: {  	_ =	shalt  }
0x67: {  	_ =	shalt  }
0x68: {  	_ =	shalt  }
0x69: {  	_ =	shalt  }
0x6a: {  	_ =	shalt  }
0x6b: {  	_ =	shalt  }
0x6c: {  	_ =	shalt  }
0x6d: {  	_ =	shalt  }
0x6e: {  	_ =	shalt  }
0x6f: {  	_ =	shalt  }
0x70: {  	_ =	shalt  }
0x71: {  	_ =	shalt  }
0x72: {  	_ =	shalt  }
0x73: {  	_ =	shalt  }
0x74: {  	_ =	shalt  }
0x75: {  	_ =	shalt  }
0x76: {  	_ =	shalt  }
0x77: {  	_ =	shalt  }
0x78: {  	_ =	shalt  }
0x79: {  	_ =	shalt  }
0x7a: {  	_ =	shalt  }
0x7b: {  	_ =	shalt  }
0x7c: {  	_ =	shalt  }
0x7d: {  	_ =	shalt  }
0x7e: {  	_ =	shalt  }
0x7f: {  	_ =	shalt  }
0x80: {  	_ =	shalt  }
0x81: {  	_ =	shalt  }
0x82: {  	_ =	shalt  }
0x83: {  	_ =	shalt  }
0x84: {  	_ =	shalt  }
0x85: {  	_ =	shalt  }
0x86: {  	_ =	shalt  }
0x87: {  	_ =	shalt  }
.Lfunc_end0:
.L_simem_size_0:
called_computation_lowered:
.L_overlay_start_0:
0x88: {  	s2 =	sld [smem:$0x3FD9]  }
0x89: {  	s3 =	sld [smem:$0x3FFE];
	_ =	sdelay $0x1  }
0x8a: {  	s1 =	srdreg.scid  }
0x8b: {  	s0 =	sand.u32 $0x1, s1  }
0x8c: {  	s17 =	sshll.u32 s0, $0xA;
	s2 =	sadd.s32 s3, s2  }
0x8d: {  	s2 =	sadd.s32 s2, s17  }
0x8e: {  	[smem:$0x3FC3] =	sst s2  }
0x8f: {  	_ = 	snop  }
0x90: {  	s2 =	sld [smem:$0x3FC9]  }
0x91: {  	s18 =	sld [smem:$0x3FC8]  }
0x92: {  	s4 =	sld [smem:$0x3FC7];
	(tm) =	ssettm $0x1  }
0x93: {  	s5 =	sld [smem:$0x3FFB];
	_ =	sdelay $0x3  }
0x94: {  	_ =	strace s5  }
0x95: {  	s5 =	sld [smem:$0x3FFC];
	_ =	sdelay $0x3  }
0x96: {  	_ =	strace s5  }
0x97: {  	s5 =	sld [smem:$0x3FFD];
	_ =	sdelay $0x3  }
0x98: {  	_ =	strace s5  }
0x99: {  	_ =	strace $0x8FFFFFFF  }
0x9a: {  	s19 =	sld [smem:$0x3FDB];
	_ =	sdelay $0x1  }
0x9b: {  	s6 =	simm.s32 $_scs_section_size  }
0x9c: {  	s7 =	simm.s32 $_size__tile_overlayer_lowered;
	s8 =	simm.s32 $_tile_overlayer_lowered  }
0x9d: {  	s22 =	simm.s32 $0x1BFF;
	s21 =	sshll.u32 s8, $0x1;
	s5 =	sadd.s32 s6, s19  }
0x9e: {  	s9 =	simm.s32 $0x0;
	s20 =	sshll.u32 s7, $0x1;
	s7 =	sadd.s32 s21, s5  }
0x9f: {  	[timem:s9], [sflag:s22] =	dma.local [hbm:s7], s20  }
0xa0: {  	_ =	swait.ge [sflag:s22], s20  }
0xa1: {  	s6 =	ssub.s32 $0x0, s20;
	[sflag:s22] =	ssyncset.done $0x0  }
0xa2: {  	[sflag:s22] =	ssyncadd.s32 s6;
	_ =	sdelay $0x1  }
0xa3: {  	s23 =	simm.s32 $0x1B8B  }
0xa4: {  	_ =	swait.ge [sflag:s23], $0x1  }
0xa5: {  	[sflag:s23] =	ssyncset.done $0x0  }
0xa6: {  	s25 =	simm.s32 $0x1B8E;
	s24 =	sld [smem:$0x3FFE];
	[sflag:s23] =	ssyncadd.s32 $0xFFFFFFFF  }
0xa7: {  	s26 =	simm.s32 $execute0_lowered;
	[smem:$0x3FD2] =	sst s25  }
0xa8: {  	s7 =	sshll.u32 s26, $0x1;
	_ =	strace $0x80000046;
	[dreg:$0x1] =	wrdreg $0xFFFFFFFF  }
0xa9: {  	s28 =	simm.s32 $_size_execute0_lowered;
	s5 =	sadd.s32 s5, s7;
	[dreg:$0x0] =	wrdreg $0x0  }
0xaa: {  	s7 =	sshll.u32 s28, $0x1;
	[dreg:$0x2] =	wrdreg s5  }
0xab: {  	[dreg:$0x3] =	wrdreg s7  }
0xac: {  	[dreg:$0x4] =	wrdreg $0xC0  }
0xad: {  	_ =	task [dreg:s9], $0x5FFFF  }
0xae: {  	[dreg:$0x1] =	wrdreg $0xFFFFFFFF  }
0xaf: {  	[dreg:$0x0] =	wrdreg $0x60  }
0xb0: {  	[dreg:$0x2] =	wrdreg s2  }
0xb1: {  	[dreg:$0x3] =	wrdreg s18  }
0xb2: {  	[dreg:$0x4] =	wrdreg s4  }
0xb3: {  	[dreg:$0x5] =	wrdreg s24  }
0xb4: {  	[dreg:$0x6] =	wrdreg $0x100000  }
0xb5: {  	[dreg:$0x7] =	wrdreg $0x9  }
0xb6: {  	_ =	task.clear_ibuf [dreg:s9], $0x8FFFF;
	_ =	strace $0x90000046  }
0xb7: {  	s29 =	simm.s32 $0x9;
	_ =	strace $0x80000048  }
0xb8: {  	_ =	swait.ge [sflag:s29], $0x1  }
0xb9: {  	[sflag:s29] =	ssyncadd.s32 $0xFFFFFFFF  }
0xba: {  	_ =	strace $0x90000048  }
0xbb: {  	_ =	sfence  }
0xbc: {  	s30 =	sld [smem:$0x0];
	_ =	sdelay $0x2  }
0xbd: {  	s31 =	sshll.u32 s1, $0xD;
	s1 =	sshrl.u32 s1, $0x2  }
0xbe: {  	s3 =	sand.u32 $0x4000, s31;
	s1 =	sadd.s32 s1, s30  }
0xbf: {  	s0 =	sor.u32 s3, s0;
	s1 =	sshll.u32 s1, $0x11  }
0xc0: {  	s0 =	sor.u32 s1, s0  }
0xc1: {  	s0 =	sadd.s32 $0x8F2B, s0  }
0xc2: {  	[sflag:s0] =	ssyncadd.remote.s32 $0x1  }
0xc3: {  	_ =	sfence.sel $0xFFFF  }
0xc4: {  	[dreg:$0x0] =	wrdreg $0xFFFFFFFF;
	(pc) =	sbr.abs _section_cstart, $3  }
0xc5: {  	[dreg:$0x1] =	wrdreg $0xFFFFFFFF  }
0xc6: {  	_ =	task.clear_ibuf [dreg:s9], $0x2FFFF;
	_ =	strace $0x9FFFFFFF  }
0xc7: {  	(tm) =	ssettm $0x7FFFFFFF  }
tec
execute0_lowered:
.L_overlay_start_1:
0x0: {  	(tag) =	ssettag $0x1  }
0x1: {  	s25 =	rddreg [dreg:$0x0]  }
0x2: {  	s2 =	rddreg [dreg:$0x1]  }
0x3: {  	s3 =	rddreg [dreg:$0x2]  }
0x4: {  	s0 =	rddreg [dreg:$0x3]  }
0x5: {  	s26 =	rddreg [dreg:$0x4];
	s1 =	srdreg.scid  }
0x6: {  	s4 =	stileid.u32;
	s5 =	simm.s32 $0x0;
	s1 =	sand.u32 $0x1, s1  }
0x7: {  	s6 =	sshll.u32 s4, $0xB;
	[smem:$0x7FF] =	sst s5;
	s29 =	sadd.s32 $0x1000, s26  }
0x8: {  	s14 =	sadd.s32 $0x2000, s26;
	s15 =	sadd.s32 $0x3000, s26;
	s16 =	sadd.s32 $0x4000, s26  }
0x9: {  	s17 =	sadd.s32 $0x5000, s26;
	s18 =	sadd.s32 $0x6000, s26;
	s7 =	sshll.u32 s1, $0xA  }
0xa: {  	s19 =	sadd.s32 $0x7000, s26;
	_ =	strace $0x80000047;
	s6 =	sor.u32 s7, s6  }
0xb: {  	s7 =	sshrl.u32 s6, $0x3;
	s23 =	sor.u32 $0x80, s6;
	s24 =	sadd.s32 s2, s6  }
0xc: {  	s28 =	sadd.s32 s3, s6;
	s10 =	sor.u32 $0x100, s6;
	[dreg:$0x6] =	wrdreg s24  }
0xd: {  	s11 =	sor.u32 $0x180, s6;
	s6 =	sshrl.u32 s29, $0x3;
	[dreg:$0x7] =	wrdreg s28  }
0xe: {  	s0 =	sadd.s32 s7, s0;
	[dreg:$0x8] =	wrdreg s6;
	s7 =	sshrl.u32 s14, $0x3  }
0xf: {  	s20 =	sadd.s32 $0x8000, s26;
	s14 =	sshrl.u32 s15, $0x3;
	[dreg:$0x9] =	wrdreg s7  }
0x10: {  	s21 =	sadd.s32 $0x9000, s26;
	s15 =	sshrl.u32 s16, $0x3;
	[dreg:$0xa] =	wrdreg s14  }
0x11: {  	s22 =	sadd.s32 $0xA000, s26;
	s16 =	sshrl.u32 s17, $0x3;
	[dreg:$0xb] =	wrdreg s15  }
0x12: {  	s1 =	ssub.s32 $0x2, s1;
	s17 =	sshrl.u32 s18, $0x3;
	[dreg:$0xc] =	wrdreg s16  }
0x13: {  	s8 =	sshrl.u32 s1, $0x1;
	s18 =	sshrl.u32 s19, $0x3;
	[dreg:$0xd] =	wrdreg s17  }
0x14: {  	s1 =	ssub.s32 s1, s8;
	s19 =	sshrl.u32 s20, $0x3;
	[dreg:$0xe] =	wrdreg s18  }
0x15: {  	s29 =	sadd.s32 $0xF000, s26;
	s20 =	sshrl.u32 s21, $0x3;
	[dreg:$0xf] =	wrdreg s19  }
0x16: {  	s8 =	sadd.s32 s2, s23;
	s21 =	sshrl.u32 s22, $0x3;
	[dreg:$0x10] =	wrdreg s20  }
0x17: {  	s9 =	sadd.s32 s3, s23;
	s6 =	sshrl.u32 s29, $0x3;
	[dreg:$0x11] =	wrdreg s21  }
0x18: {  	s23 =	sadd.s32 $0xB000, s26;
	s29 =	sadd.s32 $0x1070, s25;
	[dreg:$0x16] =	wrdreg s6  }
0x19: {  	s24 =	sadd.s32 $0xC000, s26;
	s22 =	sshrl.u32 s23, $0x3;
	[smem:$0x7FD] =	sst s29  }
0x1a: {  	s28 =	sadd.s32 $0xE000, s26;
	s23 =	sshrl.u32 s24, $0x3;
	[dreg:$0x12] =	wrdreg s22  }
0x1b: {  	s13 =	smax.u32 s1, $0x1;
	s1 =	sshrl.u32 s28, $0x3;
	[dreg:$0x13] =	wrdreg s23  }
0x1c: {  	s7 =	sadd.s32 $0x10, s25;
	[dreg:$0x15] =	wrdreg s1  }
0x1d: {  	s14 =	sadd.s32 $0x20, s25;
	[dreg:$0x17] =	wrdreg s7  }
0x1e: {  	s15 =	sadd.s32 $0x30, s25;
	[dreg:$0x18] =	wrdreg s14  }
0x1f: {  	s16 =	sadd.s32 $0x40, s25;
	[dreg:$0x19] =	wrdreg s15  }
0x20: {  	s30 =	simm.s32 $0x13000;
	s17 =	sadd.s32 $0x50, s25;
	[dreg:$0x1a] =	wrdreg s16  }
0x21: {  	s31 =	simm.s32 $0x17000;
	s18 =	sadd.s32 $0x60, s25;
	[dreg:$0x1b] =	wrdreg s17  }
0x22: {  	p0 =	sne.s32 s4, $0x0;
	s19 =	sadd.s32 $0x70, s25;
	[dreg:$0x1c] =	wrdreg s18  }
0x23: {  	s12 =	sadd.s32 $0x800, s0;
	s20 =	sadd.s32 $0x1000, s25;
	[dreg:$0x1d] =	wrdreg s19  }
0x24: {  	s24 =	sadd.s32 $0xD000, s26;
	s21 =	sadd.s32 $0x1010, s25;
	[dreg:$0x1e] =	wrdreg s20  }
0x25: {  	s26 =	sadd.s32 $0x1050, s25;
	s28 =	sadd.s32 $0x1060, s25;
	[dreg:$0x1f] =	wrdreg s21  }
0x26: {  	s0 =	sshrl.u32 s24, $0x3;
	s22 =	sadd.s32 $0x1020, s25;
	[smem:$0x7FB] =	sst s26  }
0x27: {  	s23 =	sadd.s32 $0x1030, s25;
	s24 =	sadd.s32 $0x1040, s25;
	[smem:$0x7FC] =	sst s28  }
.Ltmp0:
0x28: {  	s25 =	simm.s32 $0x400;
	s26 =	simm.s32 $0x40000;
	(pc) =	sbr.rel .LBB2_1-.Ltmp0, $4  }
0x29: {  	s1 =	simm.s32 $0x1;
	s14 =	simm.s32 $0x80;
	[dreg:$0x14] =	wrdreg s0  }
0x2a: {  	s15 =	simm.s32 $0x1C03;
	s16 =	simm.s32 $0x3;
	[smem:$0x7F8] =	sst s22  }
0x2b: {  	s17 =	simm.s32 $0x4;
	s18 =	simm.s32 $0x2;
	[smem:$0x7F9] =	sst s23  }
0x2c: {  	s20 =	simm.s32 $0x0;
	[smem:$0x7FA] =	sst s24;
	s0 =	simm.s32 $0x10  }
.LBB2_14:
0x2d: {  	s20 =	sadd.s32 $0x1, s20  }
0x2e: {  	p1 =	sne.s32 s20, s13  }
.Ltmp1:
0x2f: {  	s4 =	simm.s32 $0x19000;
	(pc) =	sbr.rel @!p1 .LBB2_15-.Ltmp1, $4  }
0x30: {  	[hbm4b:s12+s5] =	stream.linear.scatter [tilespmem:s4], [sflag:$0x4], $0x400, $0x38;
	[tilespmem:$0x19400] =	vst v63  }
0x31: {  	_ =	swait.ge [sflag:s17], $0x400  }
0x32: {  	[sflag:s17] =	ssyncset.done $0x0  }
0x33: {  	[sflag:s17] =	ssyncadd.s32 $0xFFFFFC00  }
.LBB2_1:
0x34: {  	s4 =	rddreg [dreg:$0x6];
	s6 =	simm.s32 $0x11000  }
0x35: {  	[tilespmem:s6], [sflag:$0x1] =	stream.strided.gather [hbm4b:s4+s25], $0x2000, s26, s25, $0x38;
	[tilespmem:$0x19400] =	vst v63  }
0x36: {  	s28 =	rddreg [dreg:$0x7];
	s29 =	simm.s32 $0x15000  }
0x37: {  	[tilespmem:s29], [sflag:$0x1] =	stream.strided.gather [hbm4b:s28+s25], $0x2000, s26, s25, $0x38;
	[tilespmem:$0x19400] =	vst v63  }
.Ltmp2:
0x38: {  	_ = 	snop;
	(pc) =	sbr.rel @p0 .LBB2_3-.Ltmp2, $4  }
0x39: {  	_ = 	snop  }
0x3a: {  	[tilespmem:s30], [sflag:$0x2] =	stream.strided.gather [hbm4b:s8+s25], $0x2000, s26, s25, $0x38;
	[tilespmem:$0x19400] =	vst v63  }
0x3b: {  	_ = 	snop  }
0x3c: {  	[tilespmem:s31], [sflag:$0x2] =	stream.strided.gather [hbm4b:s9+s25], $0x2000, s26, s25, $0x38;
	[tilespmem:$0x19400] =	vst v63  }
0x3d: {  	s4 =	rddreg [dreg:$0x4]  }
0x3e: {  	s6 =	rddreg [dreg:$0x0];
	s4 =	sshrl.u32 s4, $0x3  }
0x3f: {  	[spmem:s4@s0], [sflag:s15] =	dma.strided [hbm:s6@s14], $0x200, s1, $0x10   }
0x40: {  	s4 =	rddreg [dreg:$0x8]  }
0x41: {  	s6 =	rddreg [dreg:$0x17]  }
0x42: {  	[spmem:s4@s0], [sflag:s15] =	dma.strided [hbm:s6@s14], $0x200, s1, $0x10   }
0x43: {  	s4 =	rddreg [dreg:$0x9]  }
0x44: {  	s6 =	rddreg [dreg:$0x18]  }
0x45: {  	[spmem:s4@s0], [sflag:s15] =	dma.strided [hbm:s6@s14], $0x200, s1, $0x10   }
0x46: {  	s4 =	rddreg [dreg:$0xa]  }
0x47: {  	s6 =	rddreg [dreg:$0x19]  }
0x48: {  	[spmem:s4@s0], [sflag:s15] =	dma.strided [hbm:s6@s14], $0x200, s1, $0x10   }
0x49: {  	s4 =	rddreg [dreg:$0xb]  }
0x4a: {  	s6 =	rddreg [dreg:$0x1a]  }
0x4b: {  	[spmem:s4@s0], [sflag:s15] =	dma.strided [hbm:s6@s14], $0x200, s1, $0x10   }
0x4c: {  	s4 =	rddreg [dreg:$0xc]  }
0x4d: {  	s6 =	rddreg [dreg:$0x1b]  }
0x4e: {  	[spmem:s4@s0], [sflag:s15] =	dma.strided [hbm:s6@s14], $0x200, s1, $0x10   }
0x4f: {  	s4 =	rddreg [dreg:$0xd]  }
0x50: {  	s6 =	rddreg [dreg:$0x1c]  }
0x51: {  	[spmem:s4@s0], [sflag:s15] =	dma.strided [hbm:s6@s14], $0x200, s1, $0x10   }
0x52: {  	s4 =	rddreg [dreg:$0xe]  }
0x53: {  	s6 =	rddreg [dreg:$0x1d]  }
0x54: {  	[spmem:s4@s0], [sflag:s15] =	dma.strided [hbm:s6@s14], $0x200, s1, $0x10   }
0x55: {  	s4 =	rddreg [dreg:$0xf]  }
0x56: {  	s6 =	rddreg [dreg:$0x1e]  }
0x57: {  	[spmem:s4@s0], [sflag:s15] =	dma.strided [hbm:s6@s14], $0x200, s1, $0x10   }
0x58: {  	s4 =	rddreg [dreg:$0x10]  }
0x59: {  	s6 =	rddreg [dreg:$0x1f]  }
0x5a: {  	[spmem:s4@s0], [sflag:s15] =	dma.strided [hbm:s6@s14], $0x200, s1, $0x10   }
0x5b: {  	s6 =	sld [smem:$0x7F8];
	_ =	sdelay $0x1  }
0x5c: {  	s4 =	rddreg [dreg:$0x11]  }
0x5d: {  	[spmem:s4@s0], [sflag:s15] =	dma.strided [hbm:s6@s14], $0x200, s1, $0x10   }
0x5e: {  	s6 =	sld [smem:$0x7F9];
	_ =	sdelay $0x1  }
0x5f: {  	s4 =	rddreg [dreg:$0x12]  }
0x60: {  	[spmem:s4@s0], [sflag:s15] =	dma.strided [hbm:s6@s14], $0x200, s1, $0x10   }
0x61: {  	s6 =	sld [smem:$0x7FA];
	_ =	sdelay $0x1  }
0x62: {  	s4 =	rddreg [dreg:$0x13]  }
0x63: {  	[spmem:s4@s0], [sflag:s15] =	dma.strided [hbm:s6@s14], $0x200, s1, $0x10   }
0x64: {  	s6 =	sld [smem:$0x7FB];
	_ =	sdelay $0x1  }
0x65: {  	s4 =	rddreg [dreg:$0x14]  }
0x66: {  	[spmem:s4@s0], [sflag:s15] =	dma.strided [hbm:s6@s14], $0x200, s1, $0x10   }
0x67: {  	s6 =	sld [smem:$0x7FC];
	_ =	sdelay $0x1  }
0x68: {  	s4 =	rddreg [dreg:$0x15]  }
0x69: {  	[spmem:s4@s0], [sflag:s15] =	dma.strided [hbm:s6@s14], $0x200, s1, $0x10   }
0x6a: {  	s6 =	sld [smem:$0x7FD];
	_ =	sdelay $0x1  }
0x6b: {  	s4 =	rddreg [dreg:$0x16]  }
0x6c: {  	[spmem:s4@s0], [sflag:s15] =	dma.strided [hbm:s6@s14], $0x200, s1, $0x10   }
0x6d: {  	_ =	swait.ge [sflag:s16], $0x200  }
0x6e: {  	[sflag:s16] =	ssyncset.done $0x0  }
0x6f: {  	[sflag:s16] =	ssyncadd.s32 $0xFFFFFE00  }
0x70: {  	_ =	swait.ge [sflag:s16], $0x200  }
0x71: {  	[sflag:s16] =	ssyncset.done $0x0  }
0x72: {  	[sflag:s16] =	ssyncadd.s32 $0xFFFFFE00  }
0x73: {  	_ =	swait.ge [sflag:s16], $0x200  }
0x74: {  	[sflag:s16] =	ssyncset.done $0x0  }
0x75: {  	[sflag:s16] =	ssyncadd.s32 $0xFFFFFE00  }
0x76: {  	_ =	swait.ge [sflag:s16], $0x200  }
0x77: {  	[sflag:s16] =	ssyncset.done $0x0  }
0x78: {  	[sflag:s16] =	ssyncadd.s32 $0xFFFFFE00  }
0x79: {  	_ =	swait.ge [sflag:s16], $0x200  }
0x7a: {  	[sflag:s16] =	ssyncset.done $0x0  }
0x7b: {  	[sflag:s16] =	ssyncadd.s32 $0xFFFFFE00  }
0x7c: {  	_ =	swait.ge [sflag:s16], $0x200  }
0x7d: {  	[sflag:s16] =	ssyncset.done $0x0  }
0x7e: {  	[sflag:s16] =	ssyncadd.s32 $0xFFFFFE00  }
0x7f: {  	_ =	swait.ge [sflag:s16], $0x200  }
0x80: {  	[sflag:s16] =	ssyncset.done $0x0  }
0x81: {  	[sflag:s16] =	ssyncadd.s32 $0xFFFFFE00  }
0x82: {  	_ =	swait.ge [sflag:s16], $0x200  }
0x83: {  	[sflag:s16] =	ssyncset.done $0x0  }
0x84: {  	[sflag:s16] =	ssyncadd.s32 $0xFFFFFE00  }
0x85: {  	_ =	swait.ge [sflag:s16], $0x200  }
0x86: {  	[sflag:s16] =	ssyncset.done $0x0  }
0x87: {  	[sflag:s16] =	ssyncadd.s32 $0xFFFFFE00  }
0x88: {  	_ =	swait.ge [sflag:s16], $0x200  }
0x89: {  	[sflag:s16] =	ssyncset.done $0x0  }
0x8a: {  	[sflag:s16] =	ssyncadd.s32 $0xFFFFFE00  }
0x8b: {  	_ =	swait.ge [sflag:s16], $0x200  }
0x8c: {  	[sflag:s16] =	ssyncset.done $0x0  }
0x8d: {  	[sflag:s16] =	ssyncadd.s32 $0xFFFFFE00  }
0x8e: {  	_ =	swait.ge [sflag:s16], $0x200  }
0x8f: {  	[sflag:s16] =	ssyncset.done $0x0  }
0x90: {  	[sflag:s16] =	ssyncadd.s32 $0xFFFFFE00  }
0x91: {  	_ =	swait.ge [sflag:s16], $0x200  }
0x92: {  	[sflag:s16] =	ssyncset.done $0x0  }
0x93: {  	[sflag:s16] =	ssyncadd.s32 $0xFFFFFE00  }
0x94: {  	_ =	swait.ge [sflag:s16], $0x200  }
0x95: {  	[sflag:s16] =	ssyncset.done $0x0  }
0x96: {  	[sflag:s16] =	ssyncadd.s32 $0xFFFFFE00  }
0x97: {  	_ =	swait.ge [sflag:s16], $0x200  }
0x98: {  	[sflag:s16] =	ssyncset.done $0x0  }
0x99: {  	[sflag:s16] =	ssyncadd.s32 $0xFFFFFE00  }
0x9a: {  	_ =	swait.ge [sflag:s16], $0x200  }
0x9b: {  	[sflag:s16] =	ssyncset.done $0x0  }
0x9c: {  	[sflag:s16] =	ssyncadd.s32 $0xFFFFFE00  }
.LBB2_3:
0x9d: {  	[bflag:$0x0] =	sbarrier.arrive $0xFFFF  }
0x9e: {  	s21 =	simm.s32 $0x0;
	s4 =	rddreg [dreg:$0x4]  }
0x9f: {  	[tilespmem:s21], [sflag:$0x4] =	stream.linear.gather [spmem:s4], $0x10000, $0x38;
	[tilespmem:$0x19400] =	vst v63  }
0xa0: {  	_ =	swait.ge [sflag:s17], $0x10000  }
0xa1: {  	[sflag:s17] =	ssyncset.done $0x0  }
0xa2: {  	[sflag:s17] =	ssyncadd.s32 $0xFFFF0000  }
.LBB2_4:
0xa3: {  	_ =	swait.ge [sflag:s1], $0x2000  }
0xa4: {  	[sflag:s1] =	ssyncset.done $0x0  }
0xa5: {  	s22 =	sshll.u32 s21, $0x8;
	[sflag:s1] =	ssyncadd.s32 $0xFFFFE000  }
0xa6: {  	s23 =	sand.u32 $0x3FFFFF00, s22;
	_ =	swait.ge [sflag:s1], $0x2000  }
0xa7: {  	s7 =	simm.s32 $0x15200;
	s4 =	sadd.s32 $0x19000, s23;
	[sflag:s1] =	ssyncset.done $0x0  }
0xa8: {  	s28 =	simm.s32 $0x11200;
	s29 =	simm.s32 $0x0;
	v0 =	vmov s4;
	[sflag:s1] =	ssyncadd.s32 $0xFFFFE000  }
.LBB2_5:
0xa9: {  	v1 =	vld [tilespmem:s28+$0xFFFFFE00]  }
0xaa: {  	v3 =	vld [tilespmem:s28+$0x180]  }
0xab: {  	v2 =	vld [tilespmem:s28+$0xFFFFFE80]  }
0xac: {  	v5 =	vld [tilespmem:s28+$0x100]  }
0xad: {  	v4 =	vld [tilespmem:s28+$0xFFFFFF00]  }
0xae: {  	v6 =	vld [tilespmem:s28+$0x80]  }
0xaf: {  	v7 =	vld [tilespmem:s28+$0xFFFFFF80]  }
0xb0: {  	v8 =	vld [tilespmem:s28+$0x0]  }
0xb1: {  	v9 =	vld [tilespmem:s7+$0xFFFFFE00]  }
0xb2: {  	v1 =	vld.idx.msk [tilespmem:v1+s5+$0x0], $0xffff  }
0xb3: {  	v10 =	vld [tilespmem:s7+$0xFFFFFE80]  }
0xb4: {  	v2 =	vld.idx.msk [tilespmem:v2+s5+$0x0], $0xffff  }
0xb5: {  	v11 =	vld [tilespmem:s7+$0xFFFFFF00]  }
0xb6: {  	v4 =	vld.idx.msk [tilespmem:v4+s5+$0x0], $0xffff  }
0xb7: {  	v7 =	vld.idx.msk [tilespmem:v7+s5+$0x0], $0xffff;
	v1 =	vmul.f32 v1, v9  }
0xb8: {  	v12 =	vimm.f32 $0.0e+00;
	v9 =	vld [tilespmem:s7+$0xFFFFFF80]  }
0xb9: {  	v8 =	vld.idx.msk [tilespmem:v8+s5+$0x0], $0xffff;
	v2 =	vmul.f32 v2, v10;
	v12 =	vadd.f32 v1, v12  }
0xba: {  	v10 =	vld [tilespmem:s7+$0x0]  }
0xbb: {  	v11 =	vmul.f32 v4, v11;
	v1 =	vld.idx.msk [tilespmem:v6+s5+$0x0], $0xffff;
	v6 =	vadd.f32 v2, v12  }
0xbc: {  	v4 =	vld [tilespmem:s7+$0x80]  }
0xbd: {  	v2 =	vld.idx.msk [tilespmem:v5+s5+$0x0], $0xffff;
	v7 =	vmul.f32 v7, v9;
	v6 =	vadd.f32 v11, v6  }
0xbe: {  	v5 =	vld [tilespmem:s7+$0x100]  }
0xbf: {  	s19 =	sshll.u32 s29, $0x4;
	v3 =	vld.idx.msk [tilespmem:v3+s5+$0x0], $0xffff;
	v8 =	vmul.f32 v8, v10;
	v7 =	vadd.f32 v7, v6  }
0xc0: {  	s4 =	simm.s32 $0x0;
	s6 =	sadd.s32 $0x400, s28;
	s24 =	smov.u32 s7;
	v6 =	vld [tilespmem:s7+$0x180]  }
.LBB2_6:
0xc1: {  	v9 =	vld [tilespmem:s6+$0xFFFFFE00];
	s4 =	sadd.s32 $0x8, s4;
	v7 =	vadd.f32 v8, v7;
	v1 =	vmul.f32 v1, v4  }
0xc2: {  	v10 =	vld [tilespmem:s6+$0x180];
	p1 =	slt.u32 s4, $0x38  }
0xc3: {  	v4 =	vld [tilespmem:s6+$0xFFFFFE80];
	v1 =	vadd.f32 v1, v7;
	v2 =	vmul.f32 v2, v5  }
0xc4: {  	v5 =	vld [tilespmem:s6+$0x100]  }
0xc5: {  	v7 =	vld [tilespmem:s6+$0xFFFFFF00];
	v1 =	vadd.f32 v2, v1;
	v2 =	vmul.f32 v3, v6  }
0xc6: {  	v3 =	vld [tilespmem:s6+$0x80]  }
0xc7: {  	v6 =	vld [tilespmem:s6+$0xFFFFFF80];
	v1 =	vadd.f32 v2, v1  }
0xc8: {  	v2 =	vld [tilespmem:s6+$0x0]  }
0xc9: {  	s24 =	sadd.s32 $0x400, s24;
	v8 =	vld.idx.msk [tilespmem:v9+s5+$0x0], $0xffff  }
0xca: {  	v9 =	vld [tilespmem:s24+$0xFFFFFE00]  }
0xcb: {  	v4 =	vld.idx.msk [tilespmem:v4+s5+$0x0], $0xffff  }
0xcc: {  	v11 =	vld [tilespmem:s24+$0xFFFFFE80]  }
0xcd: {  	v7 =	vld.idx.msk [tilespmem:v7+s5+$0x0], $0xffff  }
0xce: {  	v12 =	vld [tilespmem:s24+$0xFFFFFF00]  }
0xcf: {  	v8 =	vmul.f32 v8, v9;
	v6 =	vld.idx.msk [tilespmem:v6+s5+$0x0], $0xffff  }
0xd0: {  	v9 =	vld [tilespmem:s24+$0xFFFFFF80]  }
0xd1: {  	v1 =	vadd.f32 v8, v1;
	v4 =	vmul.f32 v4, v11;
	v8 =	vld.idx.msk [tilespmem:v2+s5+$0x0], $0xffff  }
0xd2: {  	v11 =	vld [tilespmem:s24+$0x0]  }
0xd3: {  	v2 =	vadd.f32 v4, v1;
	v7 =	vmul.f32 v7, v12;
	v1 =	vld.idx.msk [tilespmem:v3+s5+$0x0], $0xffff  }
.Ltmp3:
0xd4: {  	v4 =	vld [tilespmem:s24+$0x80];
	(pc) =	sbr.rel @p1 .LBB2_6-.Ltmp3, $4  }
0xd5: {  	v3 =	vadd.f32 v7, v2;
	v6 =	vmul.f32 v6, v9;
	v2 =	vld.idx.msk [tilespmem:v5+s5+$0x0], $0xffff  }
0xd6: {  	v5 =	vld [tilespmem:s24+$0x100]  }
0xd7: {  	v7 =	vadd.f32 v6, v3;
	v8 =	vmul.f32 v8, v11;
	v3 =	vld.idx.msk [tilespmem:v10+s5+$0x0], $0xffff  }
0xd8: {  	s6 =	sadd.s32 $0x400, s6;
	v6 =	vld [tilespmem:s24+$0x180]  }
0xd9: {  	v7 =	vadd.f32 v8, v7;
	v1 =	vmul.f32 v1, v4;
	_ =	sdelay $0x1  }
0xda: {  	s29 =	sadd.s32 $0x1, s29;
	v1 =	vadd.f32 v1, v7;
	v2 =	vmul.f32 v2, v5  }
0xdb: {  	p1 =	sne.s32 s29, $0x8  }
.Ltmp4:
0xdc: {  	v1 =	vadd.f32 v2, v1;
	v2 =	vmul.f32 v3, v6;
	(pc) =	sbr.rel @p1 .LBB2_5-.Ltmp4, $3  }
0xdd: {  	_ = 	snop  }
0xde: {  	v1 =	vadd.f32 v2, v1;
	_ =	sdelay $0x1  }
0xdf: {  	s7 =	sadd.s32 $0x10, s7;
	s28 =	sadd.s32 $0x10, s28;
	[tilespmem:v0+s19+$0x0 ss:$0x1] =	vst.idx.msk $0xffff, v1  }
0xe0: {  	p1 =	seq.s32 s21, $0x3  }
0xe1: {  	s4 =	sadd.s32 @!p1 s22, s10;
	s7 =	simm.s32 @!p1 $0x400  }
0xe2: {  	s19 =	simm.s32 @!p1 $0x40000;
	s24 =	simm.s32 @!p1 $0x11000;
	s6 =	sadd.s32 @!p1 s2, s4  }
0xe3: {  	[tilespmem:s24], [sflag:$0x1] =	stream.strided.gather @!p1 [hbm4b:s6+s7], $0x2000, s19, s7, $0x38;
	[tilespmem:$0x19400] =	vst v63  }
0xe4: {  	s4 =	sadd.s32 @!p1 s3, s4;
	s6 =	simm.s32 @!p1 $0x15000  }
0xe5: {  	[tilespmem:s6], [sflag:$0x1] =	stream.strided.gather @!p1 [hbm4b:s4+s7], $0x2000, s19, s7, $0x38;
	[tilespmem:$0x19400] =	vst v63  }
0xe6: {  	_ =	swait.ge [sflag:s18], $0x2000  }
0xe7: {  	[sflag:s18] =	ssyncset.done $0x0  }
0xe8: {  	[sflag:s18] =	ssyncadd.s32 $0xFFFFE000  }
0xe9: {  	_ =	swait.ge [sflag:s18], $0x2000  }
0xea: {  	s29 =	sadd.s32 $0x19080, s23;
	s23 =	simm.s32 $0x0;
	[sflag:s18] =	ssyncset.done $0x0  }
0xeb: {  	s28 =	simm.s32 $0x13200;
	v0 =	vmov s29;
	s24 =	simm.s32 $0x17200;
	[sflag:s18] =	ssyncadd.s32 $0xFFFFE000  }
.LBB2_9:
0xec: {  	v1 =	vld [tilespmem:s28+$0xFFFFFE00]  }
0xed: {  	v3 =	vld [tilespmem:s28+$0x180]  }
0xee: {  	v2 =	vld [tilespmem:s28+$0xFFFFFE80]  }
0xef: {  	v5 =	vld [tilespmem:s28+$0x100]  }
0xf0: {  	v4 =	vld [tilespmem:s28+$0xFFFFFF00]  }
0xf1: {  	v6 =	vld [tilespmem:s28+$0x80]  }
0xf2: {  	v7 =	vld [tilespmem:s28+$0xFFFFFF80]  }
0xf3: {  	v8 =	vld [tilespmem:s28+$0x0]  }
0xf4: {  	v9 =	vld [tilespmem:s24+$0xFFFFFE00]  }
0xf5: {  	v1 =	vld.idx.msk [tilespmem:v1+s5+$0x0], $0xffff  }
0xf6: {  	v10 =	vld [tilespmem:s24+$0xFFFFFE80]  }
0xf7: {  	v2 =	vld.idx.msk [tilespmem:v2+s5+$0x0], $0xffff  }
0xf8: {  	v11 =	vld [tilespmem:s24+$0xFFFFFF00]  }
0xf9: {  	v4 =	vld.idx.msk [tilespmem:v4+s5+$0x0], $0xffff  }
0xfa: {  	v7 =	vld.idx.msk [tilespmem:v7+s5+$0x0], $0xffff;
	v1 =	vmul.f32 v1, v9  }
0xfb: {  	v12 =	vimm.f32 $0.0e+00;
	v9 =	vld [tilespmem:s24+$0xFFFFFF80]  }
0xfc: {  	v8 =	vld.idx.msk [tilespmem:v8+s5+$0x0], $0xffff;
	v2 =	vmul.f32 v2, v10;
	v12 =	vadd.f32 v1, v12  }
0xfd: {  	v10 =	vld [tilespmem:s24+$0x0]  }
0xfe: {  	v11 =	vmul.f32 v4, v11;
	v1 =	vld.idx.msk [tilespmem:v6+s5+$0x0], $0xffff;
	v6 =	vadd.f32 v2, v12  }
0xff: {  	v4 =	vld [tilespmem:s24+$0x80]  }
0x100: {  	v2 =	vld.idx.msk [tilespmem:v5+s5+$0x0], $0xffff;
	v7 =	vmul.f32 v7, v9;
	v6 =	vadd.f32 v11, v6  }
0x101: {  	v5 =	vld [tilespmem:s24+$0x100]  }
0x102: {  	s19 =	sshll.u32 s23, $0x4;
	v3 =	vld.idx.msk [tilespmem:v3+s5+$0x0], $0xffff;
	v8 =	vmul.f32 v8, v10;
	v7 =	vadd.f32 v7, v6  }
0x103: {  	s4 =	simm.s32 $0x0;
	s6 =	sadd.s32 $0x400, s28;
	s7 =	smov.u32 s24;
	v6 =	vld [tilespmem:s24+$0x180]  }
.LBB2_10:
0x104: {  	v9 =	vld [tilespmem:s6+$0xFFFFFE00];
	s4 =	sadd.s32 $0x8, s4;
	v7 =	vadd.f32 v8, v7;
	v1 =	vmul.f32 v1, v4  }
0x105: {  	v10 =	vld [tilespmem:s6+$0x180];
	p2 =	slt.u32 s4, $0x38  }
0x106: {  	v4 =	vld [tilespmem:s6+$0xFFFFFE80];
	v1 =	vadd.f32 v1, v7;
	v2 =	vmul.f32 v2, v5  }
0x107: {  	v5 =	vld [tilespmem:s6+$0x100]  }
0x108: {  	v7 =	vld [tilespmem:s6+$0xFFFFFF00];
	v1 =	vadd.f32 v2, v1;
	v2 =	vmul.f32 v3, v6  }
0x109: {  	v3 =	vld [tilespmem:s6+$0x80]  }
0x10a: {  	v6 =	vld [tilespmem:s6+$0xFFFFFF80];
	v1 =	vadd.f32 v2, v1  }
0x10b: {  	v2 =	vld [tilespmem:s6+$0x0]  }
0x10c: {  	s7 =	sadd.s32 $0x400, s7;
	v8 =	vld.idx.msk [tilespmem:v9+s5+$0x0], $0xffff  }
0x10d: {  	v9 =	vld [tilespmem:s7+$0xFFFFFE00]  }
0x10e: {  	v4 =	vld.idx.msk [tilespmem:v4+s5+$0x0], $0xffff  }
0x10f: {  	v11 =	vld [tilespmem:s7+$0xFFFFFE80]  }
0x110: {  	v7 =	vld.idx.msk [tilespmem:v7+s5+$0x0], $0xffff  }
0x111: {  	v12 =	vld [tilespmem:s7+$0xFFFFFF00]  }
0x112: {  	v8 =	vmul.f32 v8, v9;
	v6 =	vld.idx.msk [tilespmem:v6+s5+$0x0], $0xffff  }
0x113: {  	v9 =	vld [tilespmem:s7+$0xFFFFFF80]  }
0x114: {  	v1 =	vadd.f32 v8, v1;
	v4 =	vmul.f32 v4, v11;
	v8 =	vld.idx.msk [tilespmem:v2+s5+$0x0], $0xffff  }
0x115: {  	v11 =	vld [tilespmem:s7+$0x0]  }
0x116: {  	v2 =	vadd.f32 v4, v1;
	v7 =	vmul.f32 v7, v12;
	v1 =	vld.idx.msk [tilespmem:v3+s5+$0x0], $0xffff  }
.Ltmp5:
0x117: {  	v4 =	vld [tilespmem:s7+$0x80];
	(pc) =	sbr.rel @p2 .LBB2_10-.Ltmp5, $4  }
0x118: {  	v3 =	vadd.f32 v7, v2;
	v6 =	vmul.f32 v6, v9;
	v2 =	vld.idx.msk [tilespmem:v5+s5+$0x0], $0xffff  }
0x119: {  	v5 =	vld [tilespmem:s7+$0x100]  }
0x11a: {  	v7 =	vadd.f32 v6, v3;
	v8 =	vmul.f32 v8, v11;
	v3 =	vld.idx.msk [tilespmem:v10+s5+$0x0], $0xffff  }
0x11b: {  	s6 =	sadd.s32 $0x400, s6;
	v6 =	vld [tilespmem:s7+$0x180]  }
0x11c: {  	v7 =	vadd.f32 v8, v7;
	v1 =	vmul.f32 v1, v4;
	_ =	sdelay $0x1  }
0x11d: {  	s23 =	sadd.s32 $0x1, s23;
	v1 =	vadd.f32 v1, v7;
	v2 =	vmul.f32 v2, v5  }
0x11e: {  	p2 =	sne.s32 s23, $0x8  }
.Ltmp6:
0x11f: {  	v1 =	vadd.f32 v2, v1;
	v2 =	vmul.f32 v3, v6;
	(pc) =	sbr.rel @p2 .LBB2_9-.Ltmp6, $3  }
0x120: {  	_ = 	snop  }
0x121: {  	v1 =	vadd.f32 v2, v1;
	_ =	sdelay $0x1  }
0x122: {  	s24 =	sadd.s32 $0x10, s24;
	s28 =	sadd.s32 $0x10, s28;
	[tilespmem:v0+s19+$0x0 ss:$0x1] =	vst.idx.msk $0xffff, v1  }
.Ltmp7:
0x123: {  	(pc) =	sbr.rel @p1 .LBB2_14-.Ltmp7, $1  }
0x124: {  	_ =	sdelay $0x3  }
.Ltmp8:
0x125: {  	s4 =	sadd.s32 s22, s11;
	(pc) =	sbr.rel .LBB2_4-.Ltmp8, $4  }
0x126: {  	s6 =	sadd.s32 s2, s4  }
0x127: {  	[tilespmem:s30], [sflag:$0x2] =	stream.strided.gather [hbm4b:s6+s25], $0x2000, s26, s25, $0x38;
	[tilespmem:$0x19400] =	vst v63  }
0x128: {  	s21 =	sadd.s32 $0x1, s21;
	s4 =	sadd.s32 s3, s4  }
0x129: {  	[tilespmem:s31], [sflag:$0x2] =	stream.strided.gather [hbm4b:s4+s25], $0x2000, s26, s25, $0x38;
	[tilespmem:$0x19400] =	vst v63  }
.LBB2_15:
0x12a: {  	_ =	sfence.sel $0x180000  }
0x12b: {  	[bflag:$0x0] =	sbarrier.arrive $0xFFFF  }
0x12c: {  	_ =	strace $0x90000047  }
0x12d: {  	[bflag:$0x2] =	sbarrier.arrive $0xFFFF  }
0x12e: {  	s0 =	rddreg [dreg:$0x5]  }
0x12f: {  	s0 =	sadd.s32 @!p0 $0x100000, s0  }
0x130: {  	[sflag:s0] =	ssyncadd.tile.s32 @!p0 $0x1;
	_ =	shalt  }
.Lfunc_end2:
_tile_overlayer_lowered:
.L_overlay_start_2:
0x131: {  	(tag) =	ssettag $0x2  }
0x132: {  	s0 =	rddreg [dreg:$0x0];
	s2 =	stileid.u32  }
0x133: {  	s1 =	rddreg [dreg:$0x1];
	p0 =	sne.s32 s2, $0x0  }
0x134: {  	s3 =	rddreg [dreg:$0x2];
	[bflag:$0x3] =	sbarrier.arrive $0xFFFF;
	s2 =	simm.s32 @!p0 $0x1C04  }
0x135: {  	[timem:s3], [sflag:s2] =	dma.local @!p0 [hbm:s0], s1  }
0x136: {  	s0 =	simm.s32 @!p0 $0x4  }
0x137: {  	_ =	swait.ge @!p0 [sflag:s0], s1  }
0x138: {  	s1 =	ssub.s32 @!p0 $0x0, s1;
	[sflag:s0] =	ssyncset.done @!p0 $0x0  }
0x139: {  	[sflag:s0] =	ssyncadd.s32 @!p0 s1  }
0x13a: {  	[bflag:$0x3] =	sbarrier.arrive $0xFFFF  }
0x13b: {  	_ =	shalt  }

// kernel: kernel.7.cloned.1.call-start
scs
__scs_entry_jumppad:
0x0: {  	(pc) =	sbr.rel $0x88, $3  }
0x1: {  	(tag) =	ssettag $0x0;
	lr =	simm.s32 $0x1  }
0x2: {  	[smem:$0x3F9C] =	sst lr;
	_ =	strace $0xD0000000  }
0x3: {  	_ = 	snop  }
0x4: {  	_ = 	snop  }
0x5: {  	_ = 	snop  }
0x6: {  	_ = 	snop  }
0x7: {  	_ = 	snop  }
__scs_overlays_trampoline_lowered:
0x8: {  	[smem:$0x3FAB] =	sst s0  }
0x9: {  	[smem:$0x3FAC] =	sst s1  }
0xa: {  	[smem:$0x3FAD] =	sst s2  }
0xb: {  	[smem:$0x3FAE] =	sst s3  }
0xc: {  	[smem:$0x3FAF] =	sst s4  }
0xd: {  	[smem:$0x3FB0] =	sst s5  }
0xe: {  	[smem:$0x3FB1] =	sst s6  }
0xf: {  	[smem:$0x3FB2] =	sst s7  }
0x10: {  	[smem:$0x3FB3] =	sst s8  }
0x11: {  	[smem:$0x3FB4] =	sst s9;
	s0 =	simm.s32 @!p0 $0x0  }
0x12: {  	s1 =	sld [smem:$0x3F9A];
	s0 =	simm.s32 @p0 $0x1  }
0x13: {  	[smem:$0x3FB5] =	sst s0;
	s0 =	simm.s32 @!p1 $0x0  }
0x14: {  	s2 =	sld [smem:$0x3F99];
	s0 =	simm.s32 @p1 $0x1  }
0x15: {  	[smem:$0x3FB6] =	sst s0;
	s0 =	simm.s32 @!p2 $0x0  }
0x16: {  	s3 =	sld [smem:$0x3FDB];
	s0 =	simm.s32 @p2 $0x1  }
0x17: {  	s4 =	simm.s32 $0x1BF5;
	[smem:$0x3FB8] =	sst s0  }
0x18: {  	s0 =	sld [smem:$0x3F9B];
	_ =	swait.ge [sflag:s4], $0x0  }
0x19: {  	s7 =	sld [smem:$0x3F9C]  }
0x1a: {  	s8 =	sadd.s32 $0xFFFFE003, lr  }
0x1b: {  	s9 =	sadd.s32 $0xFFFFFEF7, lr;
	s5 =	simm.s32 $0xFFFFFFFF;
	p2 =	slt.u32 s8, $0xFFFFF086  }
0x1c: {  	p1 =	slt.u32 s9, $0xF7A;
	s5 =	simm.s32 @!p2 $0x0  }
0x1d: {  	s5 =	simm.s32 @p1 $0x1;
	p0 =	seq.s32 s7, s2  }
0x1e: {  	s7 =	smul.u32 @!p0 $0xF7A, s2;
	p2 =	seq.s32 @!p0 s5, $0x0  }
0x1f: {  	s9 =	smul.u32 $0xF7A, s1;
	s8 =	simm.s32 @!p0 $0x1BF5;
	p2 =	por !p2, p0  }
0x20: {  	[sflag:s8] =	ssyncset.s32 @!p0 $0xFFFFF086;
	s6 =	sadd.s32 @!p0 s3, s7;
	s7 =	simm.s32 @!p0 $0x108  }
0x21: {  	s3 =	sadd.s32 s3, s9;
	s6 =	sadd.s32 @!p0 $0x88, s6;
	s7 =	simm.s32 @p2 $0x1082  }
0x22: {  	[simem:s7], [sflag:s8] =	dma.local @!p0 [hbm:s6], $0xF7A  }
0x23: {  	s9 =	sor.u32 $0xD0000000, s2;
	s6 =	simm.s32 $0x108;
	_ =	swait.ge @!p0 [sflag:s8], $0x0  }
0x24: {  	s3 =	sadd.s32 $0x88, s3;
	s6 =	simm.s32 @!p1 $0x1082;
	[sflag:s4] =	ssyncset.s32 $0xFFFFF086  }
0x25: {  	[simem:s6], [sflag:s4] =	dma.local [hbm:s3], $0xF7A  }
0x26: {  	[smem:$0x3F9C] =	sst s1;
	(tag) =	ssettag s2;
	_ =	strace s9  }
0x27: {  	s1 =	sld [smem:$0x3FAC]  }
0x28: {  	s2 =	sld [smem:$0x3FAD]  }
0x29: {  	s4 =	sld [smem:$0x3FAF]  }
0x2a: {  	p0 =	seq.s32 s5, $0x0;
	s5 =	sld [smem:$0x3FB0]  }
0x2b: {  	s6 =	sld [smem:$0x3FB1]  }
0x2c: {  	s7 =	sld [smem:$0x3FB2]  }
0x2d: {  	s3 =	simm.s32 $0x108;
	s8 =	sld [smem:$0x3FB3]  }
0x2e: {  	s3 =	simm.s32 @!p0 $0x1082;
	s9 =	sld [smem:$0x3FB4]  }
0x2f: {  	lr =	sadd.s32 s0, s3;
	s0 =	sld [smem:$0x3FAB]  }
0x30: {  	s3 =	sld [smem:$0x3FAE]  }
0x31: {  	[smem:$0x3FB7] =	sst s10  }
0x32: {  	s10 =	sld [smem:$0x3FB5];
	_ =	sdelay $0x3  }
0x33: {  	p0 =	seq.s32 s10, $0x1;
	s10 =	sld [smem:$0x3FB7];
	_ =	sdelay $0x3  }
0x34: {  	[smem:$0x3FB7] =	sst s10  }
0x35: {  	s10 =	sld [smem:$0x3FB6];
	_ =	sdelay $0x3  }
0x36: {  	p1 =	seq.s32 s10, $0x1;
	s10 =	sld [smem:$0x3FB7];
	_ =	sdelay $0x3  }
0x37: {  	[smem:$0x3FB7] =	sst s10  }
0x38: {  	s10 =	sld [smem:$0x3FB8]  }
0x39: {  	_ = 	snop;
	(pc) =	sbr.ind lr, $3  }
0x3a: {  	_ = 	snop  }
0x3b: {  	_ = 	snop  }
0x3c: {  	p2 =	seq.s32 s10, $0x1;
	s10 =	sld [smem:$0x3FB7]  }
0x3d: {  	_ =	shalt  }
0x3e: {  	_ =	shalt  }
0x3f: {  	_ =	shalt  }
0x40: {  	_ =	shalt  }
0x41: {  	_ =	shalt  }
0x42: {  	_ =	shalt  }
0x43: {  	_ =	shalt  }
0x44: {  	_ =	shalt  }
0x45: {  	_ =	shalt  }
0x46: {  	_ =	shalt  }
0x47: {  	_ =	shalt  }
0x48: {  	_ =	shalt  }
0x49: {  	_ =	shalt  }
0x4a: {  	_ =	shalt  }
0x4b: {  	_ =	shalt  }
0x4c: {  	_ =	shalt  }
0x4d: {  	_ =	shalt  }
0x4e: {  	_ =	shalt  }
0x4f: {  	_ =	shalt  }
0x50: {  	_ =	shalt  }
0x51: {  	_ =	shalt  }
0x52: {  	_ =	shalt  }
0x53: {  	_ =	shalt  }
0x54: {  	_ =	shalt  }
0x55: {  	_ =	shalt  }
0x56: {  	_ =	shalt  }
0x57: {  	_ =	shalt  }
0x58: {  	_ =	shalt  }
0x59: {  	_ =	shalt  }
0x5a: {  	_ =	shalt  }
0x5b: {  	_ =	shalt  }
0x5c: {  	_ =	shalt  }
0x5d: {  	_ =	shalt  }
0x5e: {  	_ =	shalt  }
0x5f: {  	_ =	shalt  }
0x60: {  	_ =	shalt  }
0x61: {  	_ =	shalt  }
0x62: {  	_ =	shalt  }
0x63: {  	_ =	shalt  }
0x64: {  	_ =	shalt  }
0x65: {  	_ =	shalt  }
0x66: {  	_ =	shalt  }
0x67: {  	_ =	shalt  }
0x68: {  	_ =	shalt  }
0x69: {  	_ =	shalt  }
0x6a: {  	_ =	shalt  }
0x6b: {  	_ =	shalt  }
0x6c: {  	_ =	shalt  }
0x6d: {  	_ =	shalt  }
0x6e: {  	_ =	shalt  }
0x6f: {  	_ =	shalt  }
0x70: {  	_ =	shalt  }
0x71: {  	_ =	shalt  }
0x72: {  	_ =	shalt  }
0x73: {  	_ =	shalt  }
0x74: {  	_ =	shalt  }
0x75: {  	_ =	shalt  }
0x76: {  	_ =	shalt  }
0x77: {  	_ =	shalt  }
0x78: {  	_ =	shalt  }
0x79: {  	_ =	shalt  }
0x7a: {  	_ =	shalt  }
0x7b: {  	_ =	shalt  }
0x7c: {  	_ =	shalt  }
0x7d: {  	_ =	shalt  }
0x7e: {  	_ =	shalt  }
0x7f: {  	_ =	shalt  }
0x80: {  	_ =	shalt  }
0x81: {  	_ =	shalt  }
0x82: {  	_ =	shalt  }
0x83: {  	_ =	shalt  }
0x84: {  	_ =	shalt  }
0x85: {  	_ =	shalt  }
0x86: {  	_ =	shalt  }
0x87: {  	_ =	shalt  }
.Lfunc_end0:
.L_simem_size_0:
called_computation.1_lowered:
.L_overlay_start_0:
0x88: {  	s2 =	sld [smem:$0x3FD9]  }
0x89: {  	s3 =	sld [smem:$0x3FFE];
	_ =	sdelay $0x1  }
0x8a: {  	s1 =	srdreg.scid  }
0x8b: {  	s0 =	sand.u32 $0x1, s1  }
0x8c: {  	s17 =	sshll.u32 s0, $0xA;
	s2 =	sadd.s32 s3, s2  }
0x8d: {  	s2 =	sadd.s32 s2, s17  }
0x8e: {  	[smem:$0x3FC3] =	sst s2  }
0x8f: {  	_ = 	snop  }
0x90: {  	s2 =	sld [smem:$0x3FC6]  }
0x91: {  	s18 =	sld [smem:$0x3FC5]  }
0x92: {  	s4 =	sld [smem:$0x3FD0];
	(tm) =	ssettm $0x1  }
0x93: {  	s5 =	sld [smem:$0x3FFB];
	_ =	sdelay $0x3  }
0x94: {  	_ =	strace s5  }
0x95: {  	s5 =	sld [smem:$0x3FFC];
	_ =	sdelay $0x3  }
0x96: {  	_ =	strace s5  }
0x97: {  	s5 =	sld [smem:$0x3FFD];
	_ =	sdelay $0x3  }
0x98: {  	_ =	strace s5  }
0x99: {  	_ =	strace $0x8FFFFFFF  }
0x9a: {  	s19 =	sld [smem:$0x3FDB];
	_ =	sdelay $0x1  }
0x9b: {  	s6 =	simm.s32 $_scs_section_size  }
0x9c: {  	s7 =	simm.s32 $_size__tile_overlayer_lowered;
	s8 =	simm.s32 $_tile_overlayer_lowered  }
0x9d: {  	s22 =	simm.s32 $0x1BFF;
	s21 =	sshll.u32 s8, $0x1;
	s5 =	sadd.s32 s6, s19  }
0x9e: {  	s9 =	simm.s32 $0x0;
	s20 =	sshll.u32 s7, $0x1;
	s7 =	sadd.s32 s21, s5  }
0x9f: {  	[timem:s9], [sflag:s22] =	dma.local [hbm:s7], s20  }
0xa0: {  	_ =	swait.ge [sflag:s22], s20  }
0xa1: {  	s6 =	ssub.s32 $0x0, s20;
	[sflag:s22] =	ssyncset.done $0x0  }
0xa2: {  	[sflag:s22] =	ssyncadd.s32 s6;
	_ =	sdelay $0x1  }
0xa3: {  	s23 =	simm.s32 $0x1B8B  }
0xa4: {  	_ =	swait.ge [sflag:s23], $0x1  }
0xa5: {  	[sflag:s23] =	ssyncset.done $0x0  }
0xa6: {  	s25 =	simm.s32 $0x1B8E;
	s24 =	sld [smem:$0x3FFE];
	[sflag:s23] =	ssyncadd.s32 $0xFFFFFFFF  }
0xa7: {  	s26 =	simm.s32 $execute0_lowered;
	[smem:$0x3FD2] =	sst s25  }
0xa8: {  	s7 =	sshll.u32 s26, $0x1;
	_ =	strace $0x80000049;
	[dreg:$0x1] =	wrdreg $0xFFFFFFFF  }
0xa9: {  	s28 =	simm.s32 $_size_execute0_lowered;
	s5 =	sadd.s32 s5, s7;
	[dreg:$0x0] =	wrdreg $0x0  }
0xaa: {  	s7 =	sshll.u32 s28, $0x1;
	[dreg:$0x2] =	wrdreg s5  }
0xab: {  	[dreg:$0x3] =	wrdreg s7  }
0xac: {  	[dreg:$0x4] =	wrdreg $0xC0  }
0xad: {  	_ =	task [dreg:s9], $0x5FFFF  }
0xae: {  	[dreg:$0x1] =	wrdreg $0xFFFFFFFF  }
0xaf: {  	[dreg:$0x0] =	wrdreg $0x60  }
0xb0: {  	[dreg:$0x2] =	wrdreg s24  }
0xb1: {  	[dreg:$0x3] =	wrdreg s2  }
0xb2: {  	[dreg:$0x4] =	wrdreg s18  }
0xb3: {  	[dreg:$0x5] =	wrdreg s4  }
0xb4: {  	[dreg:$0x6] =	wrdreg $0x9  }
0xb5: {  	_ =	task.clear_ibuf [dreg:s9], $0x7FFFF;
	_ =	strace $0x90000049  }
0xb6: {  	s29 =	simm.s32 $0x9;
	_ =	strace $0x8000004B  }
0xb7: {  	_ =	swait.ge [sflag:s29], $0x1  }
0xb8: {  	[sflag:s29] =	ssyncadd.s32 $0xFFFFFFFF  }
0xb9: {  	_ =	strace $0x9000004B  }
0xba: {  	_ =	sfence  }
0xbb: {  	s30 =	sld [smem:$0x0];
	_ =	sdelay $0x2  }
0xbc: {  	s31 =	sshll.u32 s1, $0xD;
	s1 =	sshrl.u32 s1, $0x2  }
0xbd: {  	s3 =	sand.u32 $0x4000, s31;
	s1 =	sadd.s32 s1, s30  }
0xbe: {  	s0 =	sor.u32 s3, s0;
	s1 =	sshll.u32 s1, $0x11  }
0xbf: {  	s0 =	sor.u32 s1, s0  }
0xc0: {  	s0 =	sadd.s32 $0x8F2B, s0  }
0xc1: {  	[sflag:s0] =	ssyncadd.remote.s32 $0x1  }
0xc2: {  	_ =	sfence.sel $0xFFFF  }
0xc3: {  	[dreg:$0x0] =	wrdreg $0xFFFFFFFF;
	(pc) =	sbr.abs _section_cstart, $3  }
0xc4: {  	[dreg:$0x1] =	wrdreg $0xFFFFFFFF  }
0xc5: {  	_ =	task.clear_ibuf [dreg:s9], $0x2FFFF;
	_ =	strace $0x9FFFFFFF  }
0xc6: {  	(tm) =	ssettm $0x7FFFFFFF  }
0xc7: {  	_ =	shalt  }
tec
execute0_lowered:
.L_overlay_start_1:
0x0: {  	(tag) =	ssettag $0x1  }
0x1: {  	s4 =	rddreg [dreg:$0x0]  }
0x2: {  	s5 =	rddreg [dreg:$0x1]  }
0x3: {  	s1 =	srdreg.scid;
	s6 =	rddreg [dreg:$0x2]  }
0x4: {  	s0 =	stileid.u32;
	s7 =	simm.s32 $0x1;
	s8 =	rddreg [dreg:$0x3]  }
0x5: {  	s2 =	simm.s32 $0x0;
	s12 =	simm.s32 $0x800;
	s13 =	simm.s32 $0x480  }
0x6: {  	s14 =	simm.s32 $0x100;
	s15 =	simm.s32 $0x500;
	s16 =	simm.s32 $0x180  }
0x7: {  	s17 =	simm.s32 $0x580;
	s18 =	simm.s32 $0x200;
	s3 =	sand.u32 $0x1, s1  }
0x8: {  	s19 =	simm.s32 $0x600;
	s20 =	simm.s32 $0x280;
	s1 =	sor.u32 s3, s0  }
0x9: {  	s21 =	simm.s32 $0x680;
	p1 =	seq.s32 s3, $0x1;
	p0 =	seq.s32 s1, $0x0  }
0xa: {  	s22 =	simm.s32 $0x300;
	s23 =	simm.s32 $0x700;
	p0 =	por !p0, !p1  }
0xb: {  	s24 =	simm.s32 $0x380;
	s25 =	simm.s32 $0x780;
	p0 =	por !p0, !p0  }
0xc: {  	s26 =	simm.s32 $0xC00;
	s28 =	simm.s32 $0x0;
	s7 =	simm.s32 @!p0 $0x0  }
0xd: {  	[smem:$0x7FF] =	sst s2;
	s10 =	sshll.u32 s3, $0xD;
	s7 =	ssub.s32 s0, s7  }
0xe: {  	s11 =	ssub.s32 $0x2, s3;
	s3 =	sadd.s32 $0x800, s4;
	s9 =	sshll.u32 s7, $0xB  }
0xf: {  	s4 =	simm.s32 $0x1;
	s7 =	sshll.u32 s7, $0x7;
	s9 =	sand.u32 $0xFFFFC000, s9  }
0x10: {  	s1 =	rddreg [dreg:$0x4];
	s7 =	sand.u32 $0x380, s7;
	s30 =	sor.u32 s10, s9  }
0x11: {  	_ =	strace $0x8000004A;
	s31 =	sshrl.u32 s11, $0x1;
	s7 =	sor.u32 s7, s30  }
0x12: {  	s9 =	ssub.s32 s11, s31;
	s10 =	simm.s32 $0x400;
	s7 =	sshrl.u32 s7, $0x3  }
0x13: {  	s11 =	simm.s32 $0x2;
	s5 =	sadd.s32 s5, s7;
	s6 =	sadd.s32 s6, s7  }
0x14: {  	s7 =	sadd.s32 s8, s7;
	s8 =	smax.u32 s9, $0x1;
	s9 =	simm.s32 $0x80  }
.LBB2_1:
0x15: {  	[tilespmem:s2], [sflag:$0x2] =	stream.strided.gather [hbm4b:s5+s9], $0x400, s10, s9, $0x38;
	[tilespmem:$0x1000] =	vst v63  }
0x16: {  	_ =	swait.ge [sflag:s11], $0x400  }
0x17: {  	[sflag:s11] =	ssyncset.done $0x0  }
0x18: {  	[sflag:s11] =	ssyncadd.s32 $0xFFFFFC00  }
0x19: {  	[tilespmem:s12], [sflag:$0x2] =	stream.strided.gather [hbm4b:s6+s9], $0x400, s10, s9, $0x38;
	[tilespmem:$0x1000] =	vst v63  }
0x1a: {  	_ =	swait.ge [sflag:s11], $0x400  }
0x1b: {  	[sflag:s11] =	ssyncset.done $0x0  }
0x1c: {  	[sflag:s11] =	ssyncadd.s32 $0xFFFFFC00  }
0x1d: {  	[tilespmem:s10], [sflag:$0x1] =	stream.indirect.gather [hbm4b:s3+s9], $0x1, s2, s9, $0xb8;
	[tilespmem:$0x1000] =	vst v63  }
0x1e: {  	_ = 	snop  }
0x1f: {  	[tilespmem:s13], [sflag:$0x1] =	stream.indirect.gather [hbm4b:s3+s9], $0x1, s9, s9, $0xb8;
	[tilespmem:$0x1000] =	vst v63  }
0x20: {  	_ = 	snop  }
0x21: {  	[tilespmem:s15], [sflag:$0x1] =	stream.indirect.gather [hbm4b:s3+s9], $0x1, s14, s9, $0xb8;
	[tilespmem:$0x1000] =	vst v63  }
0x22: {  	_ = 	snop  }
0x23: {  	[tilespmem:s17], [sflag:$0x1] =	stream.indirect.gather [hbm4b:s3+s9], $0x1, s16, s9, $0xb8;
	[tilespmem:$0x1000] =	vst v63  }
0x24: {  	_ = 	snop  }
0x25: {  	[tilespmem:s19], [sflag:$0x1] =	stream.indirect.gather [hbm4b:s3+s9], $0x1, s18, s9, $0xb8;
	[tilespmem:$0x1000] =	vst v63  }
0x26: {  	_ = 	snop  }
0x27: {  	[tilespmem:s21], [sflag:$0x1] =	stream.indirect.gather [hbm4b:s3+s9], $0x1, s20, s9, $0xb8;
	[tilespmem:$0x1000] =	vst v63  }
0x28: {  	_ = 	snop  }
0x29: {  	[tilespmem:s23], [sflag:$0x1] =	stream.indirect.gather [hbm4b:s3+s9], $0x1, s22, s9, $0xb8;
	[tilespmem:$0x1000] =	vst v63  }
0x2a: {  	_ = 	snop  }
0x2b: {  	[tilespmem:s25], [sflag:$0x1] =	stream.indirect.gather [hbm4b:s3+s9], $0x1, s24, s9, $0xb8;
	[tilespmem:$0x1000] =	vst v63  }
0x2c: {  	_ =	swait.ge [sflag:s4], $0x80  }
0x2d: {  	[sflag:s4] =	ssyncset.done $0x0  }
0x2e: {  	[sflag:s4] =	ssyncadd.s32 $0xFFFFFF80  }
0x2f: {  	_ =	swait.ge [sflag:s4], $0x80  }
0x30: {  	[sflag:s4] =	ssyncset.done $0x0  }
0x31: {  	[sflag:s4] =	ssyncadd.s32 $0xFFFFFF80  }
0x32: {  	_ =	swait.ge [sflag:s4], $0x80  }
0x33: {  	[sflag:s4] =	ssyncset.done $0x0  }
0x34: {  	[sflag:s4] =	ssyncadd.s32 $0xFFFFFF80  }
0x35: {  	_ =	swait.ge [sflag:s4], $0x80  }
0x36: {  	[sflag:s4] =	ssyncset.done $0x0  }
0x37: {  	[sflag:s4] =	ssyncadd.s32 $0xFFFFFF80  }
0x38: {  	_ =	swait.ge [sflag:s4], $0x80  }
0x39: {  	[sflag:s4] =	ssyncset.done $0x0  }
0x3a: {  	[sflag:s4] =	ssyncadd.s32 $0xFFFFFF80  }
0x3b: {  	_ =	swait.ge [sflag:s4], $0x80  }
0x3c: {  	[sflag:s4] =	ssyncset.done $0x0  }
0x3d: {  	[sflag:s4] =	ssyncadd.s32 $0xFFFFFF80  }
0x3e: {  	_ =	swait.ge [sflag:s4], $0x80  }
0x3f: {  	[sflag:s4] =	ssyncset.done $0x0  }
0x40: {  	[sflag:s4] =	ssyncadd.s32 $0xFFFFFF80  }
0x41: {  	_ =	swait.ge [sflag:s4], $0x80  }
0x42: {  	[sflag:s4] =	ssyncset.done $0x0  }
0x43: {  	s29 =	simm.s32 $0x0;
	[sflag:s4] =	ssyncadd.s32 $0xFFFFFF80  }
0x44: {  	v0 =	vld [tilespmem:s29+$0x400]  }
0x45: {  	s30 =	simm.s32 $0x40;
	v1 =	vld [tilespmem:s29+$0x800]  }
.LBB2_2:
0x46: {  	_ = 	snop  }
0x47: {  	p0 =	sne.s32 s30, $0xFC0  }
.Ltmp0:
0x48: {  	_ = 	snop;
	(pc) =	sbr.rel @p0 .LBB2_2-.Ltmp0, $4  }
0x49: {  	_ = 	snop  }
0x4a: {  	s31 =	sshra.s32 s30, $0x2;
	v2 =	vmul.f32 v1, v0  }
0x4b: {  	v0 =	vld [tilespmem:s31+$0x400]  }
0x4c: {  	s30 =	sadd.s32 $0x40, s30;
	v1 =	vld [tilespmem:s31+$0x800];
	[tilespmem:s29+$0xC00] =	vst v2;
	s29 =	smov.u32 s31  }
0x4d: {  	_ =	sdelay $0x3  }
0x4e: {  	s28 =	sadd.s32 $0x1, s28;
	v0 =	vmul.f32 v1, v0  }
0x4f: {  	p0 =	sne.s32 s28, s8  }
.Ltmp1:
0x50: {  	[tilespmem:s29+$0xC00] =	vst v0;
	(pc) =	sbr.rel @p0 .LBB2_1-.Ltmp1, $4  }
0x51: {  	[hbm4b:s7+s9] =	stream.strided.scatter [tilespmem:s26], [sflag:$0x2], $0x400, s10, s9, $0x38;
	[tilespmem:$0x1000] =	vst v63  }
0x52: {  	_ =	swait.ge [sflag:s11], $0x400  }
0x53: {  	[sflag:s11] =	ssyncset.done $0x0  }
0x54: {  	[sflag:s11] =	ssyncadd.s32 $0xFFFFFC00  }
0x55: {  	_ =	sfence.sel $0x180000  }
0x56: {  	[bflag:$0x0] =	sbarrier.arrive $0xFFFF  }
0x57: {  	p0 =	sne.s32 s0, $0x0;
	_ =	strace $0x9000004A  }
0x58: {  	s0 =	sadd.s32 @!p0 $0x100000, s1;
	[bflag:$0x2] =	sbarrier.arrive $0xFFFF  }
0x59: {  	[sflag:s0] =	ssyncadd.tile.s32 @!p0 $0x1;
	_ =	shalt  }
.Lfunc_end2:
_tile_overlayer_lowered:
.L_overlay_start_2:
0x5a: {  	(tag) =	ssettag $0x2  }
0x5b: {  	s0 =	rddreg [dreg:$0x0];
	s2 =	stileid.u32  }
0x5c: {  	s1 =	rddreg [dreg:$0x1];
	p0 =	sne.s32 s2, $0x0  }
0x5d: {  	s3 =	rddreg [dreg:$0x2];
	[bflag:$0x3] =	sbarrier.arrive $0xFFFF;
	s2 =	simm.s32 @!p0 $0x1C02  }
0x5e: {  	[timem:s3], [sflag:s2] =	dma.local @!p0 [hbm:s0], s1  }
0x5f: {  	s0 =	simm.s32 @!p0 $0x2  }
0x60: {  	_ =	swait.ge @!p0 [sflag:s0], s1  }
0x61: {  	s1 =	ssub.s32 @!p0 $0x0, s1;
	[sflag:s0] =	ssyncset.done @!p0 $0x0  }
0x62: {  	[sflag:s0] =	ssyncadd.s32 @!p0 s1  }
0x63: {  	[bflag:$0x3] =	sbarrier.arrive $0xFFFF  }
0x64: {  	_ =	shalt  }

</sc_bundles>
